<compile_context>
chip_gen: v7x
topology: tpu7x:2x2x1
jax: 0.10.2.dev20260603
libtpu: 0.0.44.dev20260713+nightly
codegen_flags: <defaults>
</compile_context>

<pallas_src>
import jax
import jax.numpy as jnp
from jax import lax
from jax.experimental import pallas as pl
from jax.experimental.pallas import tpu as pltpu
from jax.experimental.pallas import tpu_sc as plsc

_NUM_CLASS = 5
_NBINS = _NUM_CLASS * _NUM_CLASS
_NPAIR = _NBINS * _NBINS
_LANES = 16
_NC = 2
_NS = 16
_NW = _NC * _NS
_ACC = _NPAIR * _LANES


def _label_kernel(pred_ref, tgt_ref, out_ref):
    p0 = pred_ref[0, 0]
    p1 = pred_ref[0, 1]
    p2 = pred_ref[0, 2]
    p3 = pred_ref[0, 3]
    p4 = pred_ref[0, 4]
    m01 = p1 > p0
    v01 = jnp.where(m01, p1, p0)
    b01 = jnp.where(m01, 1, 0)
    m23 = p3 > p2
    v23 = jnp.where(m23, p3, p2)
    b23 = jnp.where(m23, 3, 2)
    m03 = v23 > v01
    v03 = jnp.where(m03, v23, v01)
    b03 = jnp.where(m03, b23, b01)
    bi = jnp.where(p4 > v03, 4, b03)
    lab = tgt_ref[0] * _NUM_CLASS + bi
    half = lab.shape[0] // 2
    out_ref[0] = (lab[:half] * _NBINS + lab[half:]) * _LANES


def _pairs_tc(pred, target, block_h):
    n, _, h, w, d = pred.shape
    grid = (n, h // block_h)
    return pl.pallas_call(
        _label_kernel,
        grid=grid,
        in_specs=[
            pl.BlockSpec((1, _NUM_CLASS, block_h, w, d),
                         lambda i, j: (i, 0, j, 0, 0)),
            pl.BlockSpec((1, block_h, w, d), lambda i, j: (i, j, 0, 0)),
        ],
        out_specs=pl.BlockSpec((1, block_h // 2, w, d),
                               lambda i, j: (i, j, 0, 0)),
        out_shape=jax.ShapeDtypeStruct((n, h // 2, w, d), jnp.int32),
    )(pred, target)


def _sc_partial_counts(pairs_flat, n_pairs, chunk, unroll=16):
    per_worker = n_pairs // _NW
    n_chunks = per_worker // chunk
    vregs_per_chunk = chunk // _LANES

    mesh = plsc.VectorSubcoreMesh(
        core_axis_name="c", subcore_axis_name="s",
        num_cores=_NC, num_subcores=_NS)

    def body(lbl_hbm, out_hbm, lbuf_a, lbuf_b, acc, acc2, sem_a, sem_b):
        wid = lax.axis_index("s") * _NC + lax.axis_index("c")
        lane = lax.iota(jnp.int32, _LANES)
        ones = jnp.ones((_LANES,), jnp.float32)
        zeros = jnp.zeros((_LANES,), jnp.float32)
        banks = (acc, acc2)

        def zero_body(b, _):
            sl = pl.ds(b * _LANES, _LANES)
            acc[sl] = zeros
            acc2[sl] = zeros
            return 0

        lax.fori_loop(0, _NPAIR, zero_body, 0)

        vbase = wid * per_worker

        def issue(k, lbuf, sem):
            pltpu.async_copy(lbl_hbm.at[pl.ds(vbase + k * chunk, chunk)],
                             lbuf, sem)

        def drain(k, lbuf, sem):
            pltpu.make_async_copy(lbl_hbm.at[pl.ds(vbase + k * chunk, chunk)],
                                  lbuf, sem).wait()

        def compute(lbuf):
            def vreg_body(i, _):
                s0 = i * (_LANES * unroll)
                for u in range(unroll):
                    l16 = lbuf[pl.ds(s0 + u * _LANES, _LANES)]
                    plsc.addupdate_scatter(banks[u % 2], [l16 + lane], ones)
                return 0

            lax.fori_loop(0, vregs_per_chunk // unroll, vreg_body, 0)

        issue(0, lbuf_a, sem_a)
        n_half = n_chunks // 2

        def k2_body(k2, _):
            ka = 2 * k2
            issue(ka + 1, lbuf_b, sem_b)
            drain(ka, lbuf_a, sem_a)
            compute(lbuf_a)

            @pl.when(k2 < n_half - 1)
            def _prefetch():
                issue(ka + 2, lbuf_a, sem_a)

            drain(ka + 1, lbuf_b, sem_b)
            compute(lbuf_b)
            return 0

        lax.fori_loop(0, n_half, k2_body, 0)

        def merge_body(b, _):
            sl = pl.ds(b * _LANES, _LANES)
            acc[sl] = acc[sl] + acc2[sl]
            return 0

        lax.fori_loop(0, _NPAIR, merge_body, 0)
        pltpu.sync_copy(acc, out_hbm.at[pl.ds(wid * _ACC, _ACC)])

    return pl.kernel(
        body,
        out_type=jax.ShapeDtypeStruct((_NW * _ACC,), jnp.float32),
        mesh=mesh,
        compiler_params=pltpu.CompilerParams(needs_layout_passes=False),
        scratch_types=[
            pltpu.VMEM((chunk,), jnp.int32),
            pltpu.VMEM((chunk,), jnp.int32),
            pltpu.VMEM((_ACC,), jnp.float32),
            pltpu.VMEM((_ACC,), jnp.float32),
            pltpu.SemaphoreType.DMA,
            pltpu.SemaphoreType.DMA,
        ],
    )(pairs_flat)


def _finish_kernel(cnt_ref, out_ref):
    x = jnp.sum(cnt_ref[...], axis=0, keepdims=True)
    col = lax.broadcasted_iota(jnp.int32, x.shape, 1)
    pair = col // _LANES
    la = pair // _NBINS
    lb = pair - la * _NBINS
    ia = la // _NUM_CLASS
    ja = la - ia * _NUM_CLASS
    ib = lb // _NUM_CLASS
    jb = lb - ib * _NUM_CLASS
    lane = lax.broadcasted_iota(jnp.int32, (1, 128), 1)
    res = jnp.zeros((1, 128), jnp.float32)
    for cls in range(_NUM_CLASS):
        dmask = ((la == 6 * cls).astype(jnp.float32)
                 + (lb == 6 * cls).astype(jnp.float32))
        rmask = ((ia == cls).astype(jnp.float32)
                 + (ib == cls).astype(jnp.float32))
        cmask = ((ja == cls).astype(jnp.float32)
                 + (jb == cls).astype(jnp.float32))
        diag = jnp.sum(x * dmask)
        row = jnp.sum(x * rmask)
        colsum = jnp.sum(x * cmask)
        dice = 2.0 * diag / (row + colsum)
        res = res + jnp.where(lane == cls, dice, 0.0)
    out_ref[...] = res


def kernel(pred, target):
    n = pred.shape[0]
    vol = pred.shape[2] * pred.shape[3] * pred.shape[4]
    tgt = target.astype(jnp.int32)

    n_pairs = n * vol // 2
    pairs = _pairs_tc(pred, tgt, block_h=16)
    partials = _sc_partial_counts(pairs.reshape(n_pairs), n_pairs, chunk=16384)

    out = pl.pallas_call(
        _finish_kernel,
        out_shape=jax.ShapeDtypeStruct((1, 128), jnp.float32),
    )(partials.reshape(_NW, _ACC))
    return out[0, :_NUM_CLASS]

# --- scband reference (transcript-rebuilt; emitter-appended) ---
"""Pipeline reference for scband-dice-loss-867583394121 (READ-ONLY COPY).

The authoritative reference and input builder live on the scoring server;
editing this copy changes nothing except your own understanding.
"""

import jax, jax.numpy as jnp
import numpy as np

NUM_CLASS = 5

def setup_inputs(seed: int = 0) -> dict:
    key = jax.random.key(seed)
    k1, k2 = jax.random.split(key)
    pred = jax.random.normal(k1, (2, NUM_CLASS, 128, 128, 128), dtype=jnp.float32)
    target = jax.random.randint(k2, (2, 128, 128, 128), 0, NUM_CLASS, dtype=jnp.int32)
    return {"pred": pred, "target": target}

def reference(pred, target):
    # pred: (N, C, H, W, D) logits; target: (N, H, W, D) int labels
    pre_image = jnp.argmax(pred, axis=1)
    mask = (target >= 0) & (target < NUM_CLASS)
    label = jnp.where(mask, NUM_CLASS * target.astype(jnp.int32) + pre_image.astype(jnp.int32), 0)
    # confusion-matrix histogram: bincount over class-pair labels, masked via weights
    count = jnp.bincount(label.ravel(),
                         weights=mask.ravel().astype(jnp.float32),
                         minlength=NUM_CLASS ** 2,
                         length=NUM_CLASS ** 2)
    confusion_matrix = count.reshape((NUM_CLASS, NUM_CLASS))
    dice = jnp.diag(confusion_matrix) * 2.0 / (
        jnp.sum(confusion_matrix, axis=1) + jnp.sum(confusion_matrix, axis=0))
    return dice

if __name__ == "__main__":
    import jax
    _d = setup_inputs()
    print(jax.jit(kernel)(*tuple(_d.values())))

</pallas_src>

<mosaic_0001>
#map = affine_map<(d0, d1) -> (0)>
module attributes {stable_mosaic.version = 14 : i64} {
  func.func @body(%arg0: i32, %arg1: i32, %arg2: memref<2097152xi32, #tpu.memory_space<hbm>>, %arg3: memref<320000xf32, #tpu.memory_space<hbm>>, %arg4: memref<16384xi32, #tpu.memory_space<vmem>>, %arg5: memref<16384xi32, #tpu.memory_space<vmem>>, %arg6: memref<10000xf32, #tpu.memory_space<vmem>>, %arg7: memref<10000xf32, #tpu.memory_space<vmem>>, %arg8: memref<!tpu.dma_semaphore, #tpu.memory_space<semaphore_mem>>, %arg9: memref<!tpu.dma_semaphore, #tpu.memory_space<semaphore_mem>>) attributes {dimension_semantics = [#tpu.dimension_semantics<core_parallel>, #tpu.dimension_semantics<subcore_parallel>], iteration_bounds = array<i64: 2, 16>, scalar_prefetch = 0 : i64, scratch_operands = 6 : i64, tpu.core_type = #tpu.core_type<sc_vector_subcore>, window_params = [{transform_indices = #map}, {transform_indices = #map}]} {
    %mul3A = arith.constant 2 : i32
    %mul3A_0 = arith.muli %arg1, %mul3A : i32
    %add3A = arith.addi %mul3A_0, %arg0 : i32
    %iota3A = tpu.iota {dimensions = array<i32: 0>} : vector<16xi32>
    %broadcast_in_dim3A = arith.constant 1.000000e+00 : f32
    %broadcast_in_dim3A_1 = vector.broadcast %broadcast_in_dim3A : f32 to vector<16xf32>
    %broadcast_in_dim3A_2 = arith.constant 0.000000e+00 : f32
    %broadcast_in_dim3A_3 = vector.broadcast %broadcast_in_dim3A_2 : f32 to vector<16xf32>
    %scan3A = arith.constant 0 : i32
    %scan3A_4 = arith.constant 0 : i32
    %scan3A_5 = arith.constant 625 : i32
    %scan3A_6 = arith.addi %scan3A_4, %scan3A_5 : i32
    %scan3A_7 = arith.constant 1 : i32
    %scan3A_8 = scf.for %scan3A_31 = %scan3A_4 to %scan3A_6 step %scan3A_7 iter_args(%scan3A_32 = %scan3A) -> (i32)  : i32 {
      %mul3A_33 = arith.constant 16 : i32
      %mul3A_34 = arith.muli %scan3A_31, %mul3A_33 : i32
      %swap3A = arith.index_cast %mul3A_34 : i32 to index
      %swap3A_35 = tpu.vector_load %arg6[%swap3A] {strides = array<i32>} : memref<10000xf32, #tpu.memory_space<vmem>>, vector<16xf32>,
      tpu.vector_store %arg6[%swap3A], %broadcast_in_dim3A_3 {strides = array<i32>} : memref<10000xf32, #tpu.memory_space<vmem>>, vector<16xf32>,
      %swap3A_36 = arith.index_cast %mul3A_34 : i32 to index
      %swap3A_37 = tpu.vector_load %arg7[%swap3A_36] {strides = array<i32>} : memref<10000xf32, #tpu.memory_space<vmem>>, vector<16xf32>,
      tpu.vector_store %arg7[%swap3A_36], %broadcast_in_dim3A_3 {strides = array<i32>} : memref<10000xf32, #tpu.memory_space<vmem>>, vector<16xf32>,
      %scan3A_38 = arith.constant 0 : i32
      scf.yield %scan3A_38 : i32
    }
    %scan3A_9 = arith.constant 625 : i32
    %mul3A_10 = arith.constant 65536 : i32
    %mul3A_11 = arith.muli %add3A, %mul3A_10 : i32
    %add3A_12 = arith.constant 0 : i32
    %add3A_13 = arith.addi %mul3A_11, %add3A_12 : i32
    %dma_start3A = tpu.memref_slice %arg2[%add3A_13] : memref<2097152xi32, #tpu.memory_space<hbm>> -> memref<16384xi32, #tpu.memory_space<hbm>>
    %dma_start3A_14 = tpu.memref_slice %arg2[%add3A_13] : memref<2097152xi32, #tpu.memory_space<hbm>> -> memref<16384xi32, #tpu.memory_space<hbm>>
    tpu.enqueue_dma source(%dma_start3A_14 : memref<16384xi32, #tpu.memory_space<hbm>>) target(%arg4 : memref<16384xi32, #tpu.memory_space<vmem>>) target_semaphore(%arg8 : memref<!tpu.dma_semaphore, #tpu.memory_space<semaphore_mem>>)
    %scan3A_15 = arith.constant 0 : i32
    %scan3A_16 = arith.constant 0 : i32
    %scan3A_17 = arith.constant 2 : i32
    %scan3A_18 = arith.addi %scan3A_16, %scan3A_17 : i32
    %scan3A_19 = arith.constant 1 : i32
    %scan3A_20 = scf.for %scan3A_31 = %scan3A_16 to %scan3A_18 step %scan3A_19 iter_args(%scan3A_32 = %scan3A_15) -> (i32)  : i32 {
      %mul3A_33 = arith.constant 2 : i32
      %mul3A_34 = arith.muli %mul3A_33, %scan3A_31 : i32
      %add3A_35 = arith.constant 1 : i32
      %add3A_36 = arith.addi %mul3A_34, %add3A_35 : i32
      %mul3A_37 = arith.constant 16384 : i32
      %mul3A_38 = arith.muli %add3A_36, %mul3A_37 : i32
      %add3A_39 = arith.addi %mul3A_11, %mul3A_38 : i32
      %dma_start3A_40 = tpu.memref_slice %arg2[%add3A_39] : memref<2097152xi32, #tpu.memory_space<hbm>> -> memref<16384xi32, #tpu.memory_space<hbm>>
      %dma_start3A_41 = tpu.memref_slice %arg2[%add3A_39] : memref<2097152xi32, #tpu.memory_space<hbm>> -> memref<16384xi32, #tpu.memory_space<hbm>>
      tpu.enqueue_dma source(%dma_start3A_41 : memref<16384xi32, #tpu.memory_space<hbm>>) target(%arg5 : memref<16384xi32, #tpu.memory_space<vmem>>) target_semaphore(%arg9 : memref<!tpu.dma_semaphore, #tpu.memory_space<semaphore_mem>>)
      %mul3A_42 = arith.constant 16384 : i32
      %mul3A_43 = arith.muli %mul3A_34, %mul3A_42 : i32
      %add3A_44 = arith.addi %mul3A_11, %mul3A_43 : i32
      %dma_wait3A = tpu.memref_slice %arg2[%add3A_44] : memref<2097152xi32, #tpu.memory_space<hbm>> -> memref<16384xi32, #tpu.memory_space<hbm>>
      %dma_wait3A_45 = tpu.memref_slice %arg2[%add3A_44] : memref<2097152xi32, #tpu.memory_space<hbm>> -> memref<16384xi32, #tpu.memory_space<hbm>>
      tpu.wait_dma2 semaphore(%arg8 : memref<!tpu.dma_semaphore, #tpu.memory_space<semaphore_mem>>) src(%dma_wait3A_45 : memref<16384xi32, #tpu.memory_space<hbm>>) dst(%arg4 : memref<16384xi32, #tpu.memory_space<vmem>>)
      %scan3A_46 = arith.constant 0 : i32
      %scan3A_47 = arith.constant 0 : i32
      %scan3A_48 = arith.constant 64 : i32
      %scan3A_49 = arith.addi %scan3A_47, %scan3A_48 : i32
      %scan3A_50 = arith.constant 1 : i32
      %scan3A_51 = scf.for %scan3A_70 = %scan3A_47 to %scan3A_49 step %scan3A_50 iter_args(%scan3A_71 = %scan3A_46) -> (i32)  : i32 {
        %mul3A_72 = arith.constant 256 : i32
        %mul3A_73 = arith.muli %scan3A_70, %mul3A_72 : i32
        %add3A_74 = arith.constant 0 : i32
        %add3A_75 = arith.addi %mul3A_73, %add3A_74 : i32
        %get3A = arith.index_cast %add3A_75 : i32 to index
        %get3A_76 = tpu.vector_load %arg4[%get3A] {strides = array<i32>} : memref<16384xi32, #tpu.memory_space<vmem>>, vector<16xi32>,
        %add3A_77 = arith.addi %get3A_76, %iota3A : vector<16xi32>
        tpu.vector_store_idx %arg6[%add3A_77], %broadcast_in_dim3A_1 {add = true} : memref<10000xf32, #tpu.memory_space<vmem>>[vector<16xi32>], vector<16xf32>,
        %add3A_78 = arith.constant 16 : i32
        %add3A_79 = arith.addi %mul3A_73, %add3A_78 : i32
        %get3A_80 = arith.index_cast %add3A_79 : i32 to index
        %get3A_81 = tpu.vector_load %arg4[%get3A_80] {strides = array<i32>} : memref<16384xi32, #tpu.memory_space<vmem>>, vector<16xi32>,
        %add3A_82 = arith.addi %get3A_81, %iota3A : vector<16xi32>
        tpu.vector_store_idx %arg7[%add3A_82], %broadcast_in_dim3A_1 {add = true} : memref<10000xf32, #tpu.memory_space<vmem>>[vector<16xi32>], vector<16xf32>,
        %add3A_83 = arith.constant 32 : i32
        %add3A_84 = arith.addi %mul3A_73, %add3A_83 : i32
        %get3A_85 = arith.index_cast %add3A_84 : i32 to index
        %get3A_86 = tpu.vector_load %arg4[%get3A_85] {strides = array<i32>} : memref<16384xi32, #tpu.memory_space<vmem>>, vector<16xi32>,
        %add3A_87 = arith.addi %get3A_86, %iota3A : vector<16xi32>
        tpu.vector_store_idx %arg6[%add3A_87], %broadcast_in_dim3A_1 {add = true} : memref<10000xf32, #tpu.memory_space<vmem>>[vector<16xi32>], vector<16xf32>,
        %add3A_88 = arith.constant 48 : i32
        %add3A_89 = arith.addi %mul3A_73, %add3A_88 : i32
        %get3A_90 = arith.index_cast %add3A_89 : i32 to index
        %get3A_91 = tpu.vector_load %arg4[%get3A_90] {strides = array<i32>} : memref<16384xi32, #tpu.memory_space<vmem>>, vector<16xi32>,
        %add3A_92 = arith.addi %get3A_91, %iota3A : vector<16xi32>
        tpu.vector_store_idx %arg7[%add3A_92], %broadcast_in_dim3A_1 {add = true} : memref<10000xf32, #tpu.memory_space<vmem>>[vector<16xi32>], vector<16xf32>,
        %add3A_93 = arith.constant 64 : i32
        %add3A_94 = arith.addi %mul3A_73, %add3A_93 : i32
        %get3A_95 = arith.index_cast %add3A_94 : i32 to index
        %get3A_96 = tpu.vector_load %arg4[%get3A_95] {strides = array<i32>} : memref<16384xi32, #tpu.memory_space<vmem>>, vector<16xi32>,
        %add3A_97 = arith.addi %get3A_96, %iota3A : vector<16xi32>
        tpu.vector_store_idx %arg6[%add3A_97], %broadcast_in_dim3A_1 {add = true} : memref<10000xf32, #tpu.memory_space<vmem>>[vector<16xi32>], vector<16xf32>,
        %add3A_98 = arith.constant 80 : i32
        %add3A_99 = arith.addi %mul3A_73, %add3A_98 : i32
        %get3A_100 = arith.index_cast %add3A_99 : i32 to index
        %get3A_101 = tpu.vector_load %arg4[%get3A_100] {strides = array<i32>} : memref<16384xi32, #tpu.memory_space<vmem>>, vector<16xi32>,
        %add3A_102 = arith.addi %get3A_101, %iota3A : vector<16xi32>
        tpu.vector_store_idx %arg7[%add3A_102], %broadcast_in_dim3A_1 {add = true} : memref<10000xf32, #tpu.memory_space<vmem>>[vector<16xi32>], vector<16xf32>,
        %add3A_103 = arith.constant 96 : i32
        %add3A_104 = arith.addi %mul3A_73, %add3A_103 : i32
        %get3A_105 = arith.index_cast %add3A_104 : i32 to index
        %get3A_106 = tpu.vector_load %arg4[%get3A_105] {strides = array<i32>} : memref<16384xi32, #tpu.memory_space<vmem>>, vector<16xi32>,
        %add3A_107 = arith.addi %get3A_106, %iota3A : vector<16xi32>
        tpu.vector_store_idx %arg6[%add3A_107], %broadcast_in_dim3A_1 {add = true} : memref<10000xf32, #tpu.memory_space<vmem>>[vector<16xi32>], vector<16xf32>,
        %add3A_108 = arith.constant 112 : i32
        %add3A_109 = arith.addi %mul3A_73, %add3A_108 : i32
        %get3A_110 = arith.index_cast %add3A_109 : i32 to index
        %get3A_111 = tpu.vector_load %arg4[%get3A_110] {strides = array<i32>} : memref<16384xi32, #tpu.memory_space<vmem>>, vector<16xi32>,
        %add3A_112 = arith.addi %get3A_111, %iota3A : vector<16xi32>
        tpu.vector_store_idx %arg7[%add3A_112], %broadcast_in_dim3A_1 {add = true} : memref<10000xf32, #tpu.memory_space<vmem>>[vector<16xi32>], vector<16xf32>,
        %add3A_113 = arith.constant 128 : i32
        %add3A_114 = arith.addi %mul3A_73, %add3A_113 : i32
        %get3A_115 = arith.index_cast %add3A_114 : i32 to index
        %get3A_116 = tpu.vector_load %arg4[%get3A_115] {strides = array<i32>} : memref<16384xi32, #tpu.memory_space<vmem>>, vector<16xi32>,
        %add3A_117 = arith.addi %get3A_116, %iota3A : vector<16xi32>
        tpu.vector_store_idx %arg6[%add3A_117], %broadcast_in_dim3A_1 {add = true} : memref<10000xf32, #tpu.memory_space<vmem>>[vector<16xi32>], vector<16xf32>,
        %add3A_118 = arith.constant 144 : i32
        %add3A_119 = arith.addi %mul3A_73, %add3A_118 : i32
        %get3A_120 = arith.index_cast %add3A_119 : i32 to index
        %get3A_121 = tpu.vector_load %arg4[%get3A_120] {strides = array<i32>} : memref<16384xi32, #tpu.memory_space<vmem>>, vector<16xi32>,
        %add3A_122 = arith.addi %get3A_121, %iota3A : vector<16xi32>
        tpu.vector_store_idx %arg7[%add3A_122], %broadcast_in_dim3A_1 {add = true} : memref<10000xf32, #tpu.memory_space<vmem>>[vector<16xi32>], vector<16xf32>,
        %add3A_123 = arith.constant 160 : i32
        %add3A_124 = arith.addi %mul3A_73, %add3A_123 : i32
        %get3A_125 = arith.index_cast %add3A_124 : i32 to index
        %get3A_126 = tpu.vector_load %arg4[%get3A_125] {strides = array<i32>} : memref<16384xi32, #tpu.memory_space<vmem>>, vector<16xi32>,
        %add3A_127 = arith.addi %get3A_126, %iota3A : vector<16xi32>
        tpu.vector_store_idx %arg6[%add3A_127], %broadcast_in_dim3A_1 {add = true} : memref<10000xf32, #tpu.memory_space<vmem>>[vector<16xi32>], vector<16xf32>,
        %add3A_128 = arith.constant 176 : i32
        %add3A_129 = arith.addi %mul3A_73, %add3A_128 : i32
        %get3A_130 = arith.index_cast %add3A_129 : i32 to index
        %get3A_131 = tpu.vector_load %arg4[%get3A_130] {strides = array<i32>} : memref<16384xi32, #tpu.memory_space<vmem>>, vector<16xi32>,
        %add3A_132 = arith.addi %get3A_131, %iota3A : vector<16xi32>
        tpu.vector_store_idx %arg7[%add3A_132], %broadcast_in_dim3A_1 {add = true} : memref<10000xf32, #tpu.memory_space<vmem>>[vector<16xi32>], vector<16xf32>,
        %add3A_133 = arith.constant 192 : i32
        %add3A_134 = arith.addi %mul3A_73, %add3A_133 : i32
        %get3A_135 = arith.index_cast %add3A_134 : i32 to index
        %get3A_136 = tpu.vector_load %arg4[%get3A_135] {strides = array<i32>} : memref<16384xi32, #tpu.memory_space<vmem>>, vector<16xi32>,
        %add3A_137 = arith.addi %get3A_136, %iota3A : vector<16xi32>
        tpu.vector_store_idx %arg6[%add3A_137], %broadcast_in_dim3A_1 {add = true} : memref<10000xf32, #tpu.memory_space<vmem>>[vector<16xi32>], vector<16xf32>,
        %add3A_138 = arith.constant 208 : i32
        %add3A_139 = arith.addi %mul3A_73, %add3A_138 : i32
        %get3A_140 = arith.index_cast %add3A_139 : i32 to index
        %get3A_141 = tpu.vector_load %arg4[%get3A_140] {strides = array<i32>} : memref<16384xi32, #tpu.memory_space<vmem>>, vector<16xi32>,
        %add3A_142 = arith.addi %get3A_141, %iota3A : vector<16xi32>
        tpu.vector_store_idx %arg7[%add3A_142], %broadcast_in_dim3A_1 {add = true} : memref<10000xf32, #tpu.memory_space<vmem>>[vector<16xi32>], vector<16xf32>,
        %add3A_143 = arith.constant 224 : i32
        %add3A_144 = arith.addi %mul3A_73, %add3A_143 : i32
        %get3A_145 = arith.index_cast %add3A_144 : i32 to index
        %get3A_146 = tpu.vector_load %arg4[%get3A_145] {strides = array<i32>} : memref<16384xi32, #tpu.memory_space<vmem>>, vector<16xi32>,
        %add3A_147 = arith.addi %get3A_146, %iota3A : vector<16xi32>
        tpu.vector_store_idx %arg6[%add3A_147], %broadcast_in_dim3A_1 {add = true} : memref<10000xf32, #tpu.memory_space<vmem>>[vector<16xi32>], vector<16xf32>,
        %add3A_148 = arith.constant 240 : i32
        %add3A_149 = arith.addi %mul3A_73, %add3A_148 : i32
        %get3A_150 = arith.index_cast %add3A_149 : i32 to index
        %get3A_151 = tpu.vector_load %arg4[%get3A_150] {strides = array<i32>} : memref<16384xi32, #tpu.memory_space<vmem>>, vector<16xi32>,
        %add3A_152 = arith.addi %get3A_151, %iota3A : vector<16xi32>
        tpu.vector_store_idx %arg7[%add3A_152], %broadcast_in_dim3A_1 {add = true} : memref<10000xf32, #tpu.memory_space<vmem>>[vector<16xi32>], vector<16xf32>,
        %scan3A_153 = arith.constant 0 : i32
        scf.yield %scan3A_153 : i32
      }
      %scan3A_52 = arith.constant 64 : i32
      %lt3A = arith.constant 1 : i32
      %lt3A_53 = arith.cmpi slt, %scan3A_31, %lt3A : i32
      %convert_element_type3A = arith.extui %lt3A_53 : i1 to i32
      %cond3A = arith.constant 0 : i32
      %cond3A_54 = arith.cmpi ne, %convert_element_type3A, %cond3A : i32
      scf.if %cond3A_54 {
        %add3A_70 = arith.constant 2 : i32
        %add3A_71 = arith.addi %mul3A_34, %add3A_70 : i32
        %mul3A_72 = arith.constant 16384 : i32
        %mul3A_73 = arith.muli %add3A_71, %mul3A_72 : i32
        %add3A_74 = arith.addi %mul3A_11, %mul3A_73 : i32
        %dma_start3A_75 = tpu.memref_slice %arg2[%add3A_74] : memref<2097152xi32, #tpu.memory_space<hbm>> -> memref<16384xi32, #tpu.memory_space<hbm>>
        %dma_start3A_76 = tpu.memref_slice %arg2[%add3A_74] : memref<2097152xi32, #tpu.memory_space<hbm>> -> memref<16384xi32, #tpu.memory_space<hbm>>
        tpu.enqueue_dma source(%dma_start3A_76 : memref<16384xi32, #tpu.memory_space<hbm>>) target(%arg4 : memref<16384xi32, #tpu.memory_space<vmem>>) target_semaphore(%arg8 : memref<!tpu.dma_semaphore, #tpu.memory_space<semaphore_mem>>)
      } else {
      }
      %add3A_55 = arith.constant 1 : i32
      %add3A_56 = arith.addi %mul3A_34, %add3A_55 : i32
      %mul3A_57 = arith.constant 16384 : i32
      %mul3A_58 = arith.muli %add3A_56, %mul3A_57 : i32
      %add3A_59 = arith.addi %mul3A_11, %mul3A_58 : i32
      %dma_wait3A_60 = tpu.memref_slice %arg2[%add3A_59] : memref<2097152xi32, #tpu.memory_space<hbm>> -> memref<16384xi32, #tpu.memory_space<hbm>>
      %dma_wait3A_61 = tpu.memref_slice %arg2[%add3A_59] : memref<2097152xi32, #tpu.memory_space<hbm>> -> memref<16384xi32, #tpu.memory_space<hbm>>
      tpu.wait_dma2 semaphore(%arg9 : memref<!tpu.dma_semaphore, #tpu.memory_space<semaphore_mem>>) src(%dma_wait3A_61 : memref<16384xi32, #tpu.memory_space<hbm>>) dst(%arg5 : memref<16384xi32, #tpu.memory_space<vmem>>)
      %scan3A_62 = arith.constant 0 : i32
      %scan3A_63 = arith.constant 0 : i32
      %scan3A_64 = arith.constant 64 : i32
      %scan3A_65 = arith.addi %scan3A_63, %scan3A_64 : i32
      %scan3A_66 = arith.constant 1 : i32
      %scan3A_67 = scf.for %scan3A_70 = %scan3A_63 to %scan3A_65 step %scan3A_66 iter_args(%scan3A_71 = %scan3A_62) -> (i32)  : i32 {
        %mul3A_72 = arith.constant 256 : i32
        %mul3A_73 = arith.muli %scan3A_70, %mul3A_72 : i32
        %add3A_74 = arith.constant 0 : i32
        %add3A_75 = arith.addi %mul3A_73, %add3A_74 : i32
        %get3A = arith.index_cast %add3A_75 : i32 to index
        %get3A_76 = tpu.vector_load %arg5[%get3A] {strides = array<i32>} : memref<16384xi32, #tpu.memory_space<vmem>>, vector<16xi32>,
        %add3A_77 = arith.addi %get3A_76, %iota3A : vector<16xi32>
        tpu.vector_store_idx %arg6[%add3A_77], %broadcast_in_dim3A_1 {add = true} : memref<10000xf32, #tpu.memory_space<vmem>>[vector<16xi32>], vector<16xf32>,
        %add3A_78 = arith.constant 16 : i32
        %add3A_79 = arith.addi %mul3A_73, %add3A_78 : i32
        %get3A_80 = arith.index_cast %add3A_79 : i32 to index
        %get3A_81 = tpu.vector_load %arg5[%get3A_80] {strides = array<i32>} : memref<16384xi32, #tpu.memory_space<vmem>>, vector<16xi32>,
        %add3A_82 = arith.addi %get3A_81, %iota3A : vector<16xi32>
        tpu.vector_store_idx %arg7[%add3A_82], %broadcast_in_dim3A_1 {add = true} : memref<10000xf32, #tpu.memory_space<vmem>>[vector<16xi32>], vector<16xf32>,
        %add3A_83 = arith.constant 32 : i32
        %add3A_84 = arith.addi %mul3A_73, %add3A_83 : i32
        %get3A_85 = arith.index_cast %add3A_84 : i32 to index
        %get3A_86 = tpu.vector_load %arg5[%get3A_85] {strides = array<i32>} : memref<16384xi32, #tpu.memory_space<vmem>>, vector<16xi32>,
        %add3A_87 = arith.addi %get3A_86, %iota3A : vector<16xi32>
        tpu.vector_store_idx %arg6[%add3A_87], %broadcast_in_dim3A_1 {add = true} : memref<10000xf32, #tpu.memory_space<vmem>>[vector<16xi32>], vector<16xf32>,
        %add3A_88 = arith.constant 48 : i32
        %add3A_89 = arith.addi %mul3A_73, %add3A_88 : i32
        %get3A_90 = arith.index_cast %add3A_89 : i32 to index
        %get3A_91 = tpu.vector_load %arg5[%get3A_90] {strides = array<i32>} : memref<16384xi32, #tpu.memory_space<vmem>>, vector<16xi32>,
        %add3A_92 = arith.addi %get3A_91, %iota3A : vector<16xi32>
        tpu.vector_store_idx %arg7[%add3A_92], %broadcast_in_dim3A_1 {add = true} : memref<10000xf32, #tpu.memory_space<vmem>>[vector<16xi32>], vector<16xf32>,
        %add3A_93 = arith.constant 64 : i32
        %add3A_94 = arith.addi %mul3A_73, %add3A_93 : i32
        %get3A_95 = arith.index_cast %add3A_94 : i32 to index
        %get3A_96 = tpu.vector_load %arg5[%get3A_95] {strides = array<i32>} : memref<16384xi32, #tpu.memory_space<vmem>>, vector<16xi32>,
        %add3A_97 = arith.addi %get3A_96, %iota3A : vector<16xi32>
        tpu.vector_store_idx %arg6[%add3A_97], %broadcast_in_dim3A_1 {add = true} : memref<10000xf32, #tpu.memory_space<vmem>>[vector<16xi32>], vector<16xf32>,
        %add3A_98 = arith.constant 80 : i32
        %add3A_99 = arith.addi %mul3A_73, %add3A_98 : i32
        %get3A_100 = arith.index_cast %add3A_99 : i32 to index
        %get3A_101 = tpu.vector_load %arg5[%get3A_100] {strides = array<i32>} : memref<16384xi32, #tpu.memory_space<vmem>>, vector<16xi32>,
        %add3A_102 = arith.addi %get3A_101, %iota3A : vector<16xi32>
        tpu.vector_store_idx %arg7[%add3A_102], %broadcast_in_dim3A_1 {add = true} : memref<10000xf32, #tpu.memory_space<vmem>>[vector<16xi32>], vector<16xf32>,
        %add3A_103 = arith.constant 96 : i32
        %add3A_104 = arith.addi %mul3A_73, %add3A_103 : i32
        %get3A_105 = arith.index_cast %add3A_104 : i32 to index
        %get3A_106 = tpu.vector_load %arg5[%get3A_105] {strides = array<i32>} : memref<16384xi32, #tpu.memory_space<vmem>>, vector<16xi32>,
        %add3A_107 = arith.addi %get3A_106, %iota3A : vector<16xi32>
        tpu.vector_store_idx %arg6[%add3A_107], %broadcast_in_dim3A_1 {add = true} : memref<10000xf32, #tpu.memory_space<vmem>>[vector<16xi32>], vector<16xf32>,
        %add3A_108 = arith.constant 112 : i32
        %add3A_109 = arith.addi %mul3A_73, %add3A_108 : i32
        %get3A_110 = arith.index_cast %add3A_109 : i32 to index
        %get3A_111 = tpu.vector_load %arg5[%get3A_110] {strides = array<i32>} : memref<16384xi32, #tpu.memory_space<vmem>>, vector<16xi32>,
        %add3A_112 = arith.addi %get3A_111, %iota3A : vector<16xi32>
        tpu.vector_store_idx %arg7[%add3A_112], %broadcast_in_dim3A_1 {add = true} : memref<10000xf32, #tpu.memory_space<vmem>>[vector<16xi32>], vector<16xf32>,
        %add3A_113 = arith.constant 128 : i32
        %add3A_114 = arith.addi %mul3A_73, %add3A_113 : i32
        %get3A_115 = arith.index_cast %add3A_114 : i32 to index
        %get3A_116 = tpu.vector_load %arg5[%get3A_115] {strides = array<i32>} : memref<16384xi32, #tpu.memory_space<vmem>>, vector<16xi32>,
        %add3A_117 = arith.addi %get3A_116, %iota3A : vector<16xi32>
        tpu.vector_store_idx %arg6[%add3A_117], %broadcast_in_dim3A_1 {add = true} : memref<10000xf32, #tpu.memory_space<vmem>>[vector<16xi32>], vector<16xf32>,
        %add3A_118 = arith.constant 144 : i32
        %add3A_119 = arith.addi %mul3A_73, %add3A_118 : i32
        %get3A_120 = arith.index_cast %add3A_119 : i32 to index
        %get3A_121 = tpu.vector_load %arg5[%get3A_120] {strides = array<i32>} : memref<16384xi32, #tpu.memory_space<vmem>>, vector<16xi32>,
        %add3A_122 = arith.addi %get3A_121, %iota3A : vector<16xi32>
        tpu.vector_store_idx %arg7[%add3A_122], %broadcast_in_dim3A_1 {add = true} : memref<10000xf32, #tpu.memory_space<vmem>>[vector<16xi32>], vector<16xf32>,
        %add3A_123 = arith.constant 160 : i32
        %add3A_124 = arith.addi %mul3A_73, %add3A_123 : i32
        %get3A_125 = arith.index_cast %add3A_124 : i32 to index
        %get3A_126 = tpu.vector_load %arg5[%get3A_125] {strides = array<i32>} : memref<16384xi32, #tpu.memory_space<vmem>>, vector<16xi32>,
        %add3A_127 = arith.addi %get3A_126, %iota3A : vector<16xi32>
        tpu.vector_store_idx %arg6[%add3A_127], %broadcast_in_dim3A_1 {add = true} : memref<10000xf32, #tpu.memory_space<vmem>>[vector<16xi32>], vector<16xf32>,
        %add3A_128 = arith.constant 176 : i32
        %add3A_129 = arith.addi %mul3A_73, %add3A_128 : i32
        %get3A_130 = arith.index_cast %add3A_129 : i32 to index
        %get3A_131 = tpu.vector_load %arg5[%get3A_130] {strides = array<i32>} : memref<16384xi32, #tpu.memory_space<vmem>>, vector<16xi32>,
        %add3A_132 = arith.addi %get3A_131, %iota3A : vector<16xi32>
        tpu.vector_store_idx %arg7[%add3A_132], %broadcast_in_dim3A_1 {add = true} : memref<10000xf32, #tpu.memory_space<vmem>>[vector<16xi32>], vector<16xf32>,
        %add3A_133 = arith.constant 192 : i32
        %add3A_134 = arith.addi %mul3A_73, %add3A_133 : i32
        %get3A_135 = arith.index_cast %add3A_134 : i32 to index
        %get3A_136 = tpu.vector_load %arg5[%get3A_135] {strides = array<i32>} : memref<16384xi32, #tpu.memory_space<vmem>>, vector<16xi32>,
        %add3A_137 = arith.addi %get3A_136, %iota3A : vector<16xi32>
        tpu.vector_store_idx %arg6[%add3A_137], %broadcast_in_dim3A_1 {add = true} : memref<10000xf32, #tpu.memory_space<vmem>>[vector<16xi32>], vector<16xf32>,
        %add3A_138 = arith.constant 208 : i32
        %add3A_139 = arith.addi %mul3A_73, %add3A_138 : i32
        %get3A_140 = arith.index_cast %add3A_139 : i32 to index
        %get3A_141 = tpu.vector_load %arg5[%get3A_140] {strides = array<i32>} : memref<16384xi32, #tpu.memory_space<vmem>>, vector<16xi32>,
        %add3A_142 = arith.addi %get3A_141, %iota3A : vector<16xi32>
        tpu.vector_store_idx %arg7[%add3A_142], %broadcast_in_dim3A_1 {add = true} : memref<10000xf32, #tpu.memory_space<vmem>>[vector<16xi32>], vector<16xf32>,
        %add3A_143 = arith.constant 224 : i32
        %add3A_144 = arith.addi %mul3A_73, %add3A_143 : i32
        %get3A_145 = arith.index_cast %add3A_144 : i32 to index
        %get3A_146 = tpu.vector_load %arg5[%get3A_145] {strides = array<i32>} : memref<16384xi32, #tpu.memory_space<vmem>>, vector<16xi32>,
        %add3A_147 = arith.addi %get3A_146, %iota3A : vector<16xi32>
        tpu.vector_store_idx %arg6[%add3A_147], %broadcast_in_dim3A_1 {add = true} : memref<10000xf32, #tpu.memory_space<vmem>>[vector<16xi32>], vector<16xf32>,
        %add3A_148 = arith.constant 240 : i32
        %add3A_149 = arith.addi %mul3A_73, %add3A_148 : i32
        %get3A_150 = arith.index_cast %add3A_149 : i32 to index
        %get3A_151 = tpu.vector_load %arg5[%get3A_150] {strides = array<i32>} : memref<16384xi32, #tpu.memory_space<vmem>>, vector<16xi32>,
        %add3A_152 = arith.addi %get3A_151, %iota3A : vector<16xi32>
        tpu.vector_store_idx %arg7[%add3A_152], %broadcast_in_dim3A_1 {add = true} : memref<10000xf32, #tpu.memory_space<vmem>>[vector<16xi32>], vector<16xf32>,
        %scan3A_153 = arith.constant 0 : i32
        scf.yield %scan3A_153 : i32
      }
      %scan3A_68 = arith.constant 64 : i32
      %scan3A_69 = arith.constant 0 : i32
      scf.yield %scan3A_69 : i32
    }
    %scan3A_21 = arith.constant 2 : i32
    %scan3A_22 = arith.constant 0 : i32
    %scan3A_23 = arith.constant 0 : i32
    %scan3A_24 = arith.constant 625 : i32
    %scan3A_25 = arith.addi %scan3A_23, %scan3A_24 : i32
    %scan3A_26 = arith.constant 1 : i32
    %scan3A_27 = scf.for %scan3A_31 = %scan3A_23 to %scan3A_25 step %scan3A_26 iter_args(%scan3A_32 = %scan3A_22) -> (i32)  : i32 {
      %mul3A_33 = arith.constant 16 : i32
      %mul3A_34 = arith.muli %scan3A_31, %mul3A_33 : i32
      %get3A = arith.index_cast %mul3A_34 : i32 to index
      %get3A_35 = tpu.vector_load %arg6[%get3A] {strides = array<i32>} : memref<10000xf32, #tpu.memory_space<vmem>>, vector<16xf32>,
      %get3A_36 = arith.index_cast %mul3A_34 : i32 to index
      %get3A_37 = tpu.vector_load %arg7[%get3A_36] {strides = array<i32>} : memref<10000xf32, #tpu.memory_space<vmem>>, vector<16xf32>,
      %add3A_38 = arith.addf %get3A_35, %get3A_37 : vector<16xf32>
      %swap3A = arith.index_cast %mul3A_34 : i32 to index
      %swap3A_39 = tpu.vector_load %arg6[%swap3A] {strides = array<i32>} : memref<10000xf32, #tpu.memory_space<vmem>>, vector<16xf32>,
      tpu.vector_store %arg6[%swap3A], %add3A_38 {strides = array<i32>} : memref<10000xf32, #tpu.memory_space<vmem>>, vector<16xf32>,
      %scan3A_40 = arith.constant 0 : i32
      scf.yield %scan3A_40 : i32
    }
    %scan3A_28 = arith.constant 625 : i32
    %mul3A_29 = arith.constant 10000 : i32
    %mul3A_30 = arith.muli %add3A, %mul3A_29 : i32
    "tpu.region"() ({
      %run_scoped3A = tpu.sem_alloc : memref<!tpu.dma_semaphore, #tpu.memory_space<semaphore_mem>>
      %dma_start3A_31 = tpu.memref_slice %arg3[%mul3A_30] : memref<320000xf32, #tpu.memory_space<hbm>> -> memref<10000xf32, #tpu.memory_space<hbm>>
      %dma_start3A_32 = tpu.memref_slice %arg3[%mul3A_30] : memref<320000xf32, #tpu.memory_space<hbm>> -> memref<10000xf32, #tpu.memory_space<hbm>>
      tpu.enqueue_dma source(%arg6 : memref<10000xf32, #tpu.memory_space<vmem>>) target(%dma_start3A_32 : memref<10000xf32, #tpu.memory_space<hbm>>) target_semaphore(%run_scoped3A : memref<!tpu.dma_semaphore, #tpu.memory_space<semaphore_mem>>)
      %dma_wait3A = tpu.memref_slice %arg3[%mul3A_30] : memref<320000xf32, #tpu.memory_space<hbm>> -> memref<10000xf32, #tpu.memory_space<hbm>>
      %dma_wait3A_33 = tpu.memref_slice %arg3[%mul3A_30] : memref<320000xf32, #tpu.memory_space<hbm>> -> memref<10000xf32, #tpu.memory_space<hbm>>
      tpu.wait_dma2 semaphore(%run_scoped3A : memref<!tpu.dma_semaphore, #tpu.memory_space<semaphore_mem>>) src(%arg6 : memref<10000xf32, #tpu.memory_space<vmem>>) dst(%dma_wait3A_33 : memref<10000xf32, #tpu.memory_space<hbm>>)
      tpu.yield
    }) : () -> ()
    return
  }
}

module attributes {stable_mosaic.version = 14 : i64} {
  func.func @_label_kernel(%arg0: i32, %arg1: i32, %arg2: memref<1x5x16x128x128xf32, #tpu.memory_space<vmem>>, %arg3: memref<1x16x128x128xi32, #tpu.memory_space<vmem>>, %arg4: memref<1x8x128x128xi32, #tpu.memory_space<vmem>>) attributes {dimension_semantics = [#tpu.dimension_semantics<arbitrary>, #tpu.dimension_semantics<arbitrary>], iteration_bounds = array<i64: 2, 8>, scalar_prefetch = 0 : i64, scratch_operands = 0 : i64, tpu.core_type = #tpu.core_type<tc>, window_params = [{transform_indices = @transform_0, window_bounds = array<i64: 1, 5, 16, 128, 128>}, {transform_indices = @transform_1, window_bounds = array<i64: 1, 16, 128, 128>}, {transform_indices = @transform_2, window_bounds = array<i64: 1, 8, 128, 128>}]} {
    %get3A = arith.constant 0 : index
    %get3A_0 = arith.constant 0 : index
    %get3A_1 = arith.constant 0 : index
    %get3A_2 = arith.constant 0 : index
    %get3A_3 = arith.constant 0 : index
    %get3A_4 = vector.load %arg2[%get3A, %get3A_0, %get3A_1, %get3A_2, %get3A_3] : memref<1x5x16x128x128xf32, #tpu.memory_space<vmem>>, vector<1x1x16x128x128xf32>
    %get3A_5 = vector.shape_cast %get3A_4 : vector<1x1x16x128x128xf32> to vector<16x128x128xf32>
    %get3A_6 = arith.constant 0 : index
    %get3A_7 = arith.constant 1 : index
    %get3A_8 = arith.constant 0 : index
    %get3A_9 = arith.constant 0 : index
    %get3A_10 = arith.constant 0 : index
    %get3A_11 = vector.load %arg2[%get3A_6, %get3A_7, %get3A_8, %get3A_9, %get3A_10] : memref<1x5x16x128x128xf32, #tpu.memory_space<vmem>>, vector<1x1x16x128x128xf32>
    %get3A_12 = vector.shape_cast %get3A_11 : vector<1x1x16x128x128xf32> to vector<16x128x128xf32>
    %get3A_13 = arith.constant 0 : index
    %get3A_14 = arith.constant 2 : index
    %get3A_15 = arith.constant 0 : index
    %get3A_16 = arith.constant 0 : index
    %get3A_17 = arith.constant 0 : index
    %get3A_18 = vector.load %arg2[%get3A_13, %get3A_14, %get3A_15, %get3A_16, %get3A_17] : memref<1x5x16x128x128xf32, #tpu.memory_space<vmem>>, vector<1x1x16x128x128xf32>
    %get3A_19 = vector.shape_cast %get3A_18 : vector<1x1x16x128x128xf32> to vector<16x128x128xf32>
    %get3A_20 = arith.constant 0 : index
    %get3A_21 = arith.constant 3 : index
    %get3A_22 = arith.constant 0 : index
    %get3A_23 = arith.constant 0 : index
    %get3A_24 = arith.constant 0 : index
    %get3A_25 = vector.load %arg2[%get3A_20, %get3A_21, %get3A_22, %get3A_23, %get3A_24] : memref<1x5x16x128x128xf32, #tpu.memory_space<vmem>>, vector<1x1x16x128x128xf32>
    %get3A_26 = vector.shape_cast %get3A_25 : vector<1x1x16x128x128xf32> to vector<16x128x128xf32>
    %get3A_27 = arith.constant 0 : index
    %get3A_28 = arith.constant 4 : index
    %get3A_29 = arith.constant 0 : index
    %get3A_30 = arith.constant 0 : index
    %get3A_31 = arith.constant 0 : index
    %get3A_32 = vector.load %arg2[%get3A_27, %get3A_28, %get3A_29, %get3A_30, %get3A_31] : memref<1x5x16x128x128xf32, #tpu.memory_space<vmem>>, vector<1x1x16x128x128xf32>
    %get3A_33 = vector.shape_cast %get3A_32 : vector<1x1x16x128x128xf32> to vector<16x128x128xf32>
    %gt3A = arith.cmpf ogt, %get3A_12, %get3A_5 : vector<16x128x128xf32>
    %select_n3A = arith.select %gt3A, %get3A_12, %get3A_5 : vector<16x128x128xi1>, vector<16x128x128xf32>
    %jit3A = arith.constant 1 : i32
    %jit3A_34 = arith.constant 0 : i32
    %broadcast_in_dim3A = vector.broadcast %jit3A : i32 to vector<16x128x128xi32>
    %broadcast_in_dim3A_35 = vector.broadcast %jit3A_34 : i32 to vector<16x128x128xi32>
    %select_n3A_36 = arith.select %gt3A, %broadcast_in_dim3A, %broadcast_in_dim3A_35 : vector<16x128x128xi1>, vector<16x128x128xi32>
    %gt3A_37 = arith.cmpf ogt, %get3A_26, %get3A_19 : vector<16x128x128xf32>
    %select_n3A_38 = arith.select %gt3A_37, %get3A_26, %get3A_19 : vector<16x128x128xi1>, vector<16x128x128xf32>
    %jit3A_39 = arith.constant 3 : i32
    %jit3A_40 = arith.constant 2 : i32
    %broadcast_in_dim3A_41 = vector.broadcast %jit3A_39 : i32 to vector<16x128x128xi32>
    %broadcast_in_dim3A_42 = vector.broadcast %jit3A_40 : i32 to vector<16x128x128xi32>
    %select_n3A_43 = arith.select %gt3A_37, %broadcast_in_dim3A_41, %broadcast_in_dim3A_42 : vector<16x128x128xi1>, vector<16x128x128xi32>
    %gt3A_44 = arith.cmpf ogt, %select_n3A_38, %select_n3A : vector<16x128x128xf32>
    %select_n3A_45 = arith.select %gt3A_44, %select_n3A_38, %select_n3A : vector<16x128x128xi1>, vector<16x128x128xf32>
    %select_n3A_46 = arith.select %gt3A_44, %select_n3A_43, %select_n3A_36 : vector<16x128x128xi1>, vector<16x128x128xi32>
    %gt3A_47 = arith.cmpf ogt, %get3A_33, %select_n3A_45 : vector<16x128x128xf32>
    %jit3A_48 = arith.constant 4 : i32
    %broadcast_in_dim3A_49 = vector.broadcast %jit3A_48 : i32 to vector<16x128x128xi32>
    %select_n3A_50 = arith.select %gt3A_47, %broadcast_in_dim3A_49, %select_n3A_46 : vector<16x128x128xi1>, vector<16x128x128xi32>
    %get3A_51 = arith.constant 0 : index
    %get3A_52 = arith.constant 0 : index
    %get3A_53 = arith.constant 0 : index
    %get3A_54 = arith.constant 0 : index
    %get3A_55 = vector.load %arg3[%get3A_51, %get3A_52, %get3A_53, %get3A_54] : memref<1x16x128x128xi32, #tpu.memory_space<vmem>>, vector<1x16x128x128xi32>
    %get3A_56 = vector.shape_cast %get3A_55 : vector<1x16x128x128xi32> to vector<16x128x128xi32>
    %mul3A = arith.constant 5 : i32
    %mul3A_57 = vector.broadcast %mul3A : i32 to vector<16x128x128xi32>
    %mul3A_58 = arith.muli %get3A_56, %mul3A_57 : vector<16x128x128xi32>
    %add3A = arith.addi %mul3A_58, %select_n3A_50 : vector<16x128x128xi32>
    %slice3A = vector.extract_strided_slice %add3A {offsets = [0, 0, 0], sizes = [8, 128, 128], strides = [1, 1, 1]} : vector<16x128x128xi32> to vector<8x128x128xi32>
    %mul3A_59 = arith.constant 25 : i32
    %mul3A_60 = vector.broadcast %mul3A_59 : i32 to vector<8x128x128xi32>
    %mul3A_61 = arith.muli %slice3A, %mul3A_60 : vector<8x128x128xi32>
    %slice3A_62 = vector.extract_strided_slice %add3A {offsets = [8, 0, 0], sizes = [8, 128, 128], strides = [1, 1, 1]} : vector<16x128x128xi32> to vector<8x128x128xi32>
    %add3A_63 = arith.addi %mul3A_61, %slice3A_62 : vector<8x128x128xi32>
    %mul3A_64 = arith.constant 16 : i32
    %mul3A_65 = vector.broadcast %mul3A_64 : i32 to vector<8x128x128xi32>
    %mul3A_66 = arith.muli %add3A_63, %mul3A_65 : vector<8x128x128xi32>
    %swap3A = arith.constant 0 : index
    %swap3A_67 = arith.constant 0 : index
    %swap3A_68 = arith.constant 0 : index
    %swap3A_69 = arith.constant 0 : index
    %swap3A_70 = vector.load %arg4[%swap3A, %swap3A_67, %swap3A_68, %swap3A_69] : memref<1x8x128x128xi32, #tpu.memory_space<vmem>>, vector<1x8x128x128xi32>
    %swap3A_71 = vector.shape_cast %swap3A_70 : vector<1x8x128x128xi32> to vector<8x128x128xi32>
    %swap3A_72 = vector.shape_cast %mul3A_66 : vector<8x128x128xi32> to vector<1x8x128x128xi32>
    tpu.vector_store %arg4[%swap3A, %swap3A_67, %swap3A_68, %swap3A_69], %swap3A_72 {strides = array<i32>} : memref<1x8x128x128xi32, #tpu.memory_space<vmem>>, vector<1x8x128x128xi32>,
    return
  }
  func.func @transform_0(%arg0: i32, %arg1: i32) -> (i32, i32, i32, i32, i32) {
    %c0_i32 = arith.constant 0 : i32
    %c0_i32_0 = arith.constant 0 : i32
    %c0_i32_1 = arith.constant 0 : i32
    %c0_i32_2 = arith.constant 0 : i32
    return %arg0, %c0_i32, %arg1, %c0_i32_0, %c0_i32_1 : i32, i32, i32, i32, i32
  }
  func.func @transform_1(%arg0: i32, %arg1: i32) -> (i32, i32, i32, i32) {
    %c0_i32 = arith.constant 0 : i32
    %c0_i32_0 = arith.constant 0 : i32
    %c0_i32_1 = arith.constant 0 : i32
    return %arg0, %arg1, %c0_i32, %c0_i32_0 : i32, i32, i32, i32
  }
  func.func @transform_2(%arg0: i32, %arg1: i32) -> (i32, i32, i32, i32) {
    %c0_i32 = arith.constant 0 : i32
    %c0_i32_0 = arith.constant 0 : i32
    %c0_i32_1 = arith.constant 0 : i32
    return %arg0, %arg1, %c0_i32, %c0_i32_0 : i32, i32, i32, i32
  }
}

module attributes {stable_mosaic.version = 14 : i64} {
  func.func @_finish_kernel(%arg0: memref<32x10000xf32, #tpu.memory_space<vmem>>, %arg1: memref<1x128xf32, #tpu.memory_space<vmem>>) attributes {dimension_semantics = [], scalar_prefetch = 0 : i64, scratch_operands = 0 : i64, tpu.core_type = #tpu.core_type<tc>} {
    %get3A = arith.constant 0 : index
    %get3A_0 = arith.constant 0 : index
    %get3A_1 = vector.load %arg0[%get3A, %get3A_0] : memref<32x10000xf32, #tpu.memory_space<vmem>>, vector<32x10000xf32>
    %reduce_sum3A = arith.constant dense<0.000000e+00> : vector<10000xf32>
    %reduce_sum3A_2 = vector.multi_reduction <add>, %get3A_1, %reduce_sum3A [0] : vector<32x10000xf32> to vector<10000xf32>
    %broadcast_in_dim3A = vector.shape_cast %reduce_sum3A_2 : vector<10000xf32> to vector<1x10000xf32>
    %iota3A = tpu.iota {dimensions = array<i32: 1>} : vector<1x10000xi32>
    %jit3A = arith.constant 16 : i32
    %div3A = vector.broadcast %jit3A : i32 to vector<1x10000xi32>
    %div3A_3 = arith.divsi %iota3A, %div3A : vector<1x10000xi32>
    %sign3A = arith.constant 0 : i32
    %sign3A_4 = vector.broadcast %sign3A : i32 to vector<1x10000xi32>
    %sign3A_5 = arith.cmpi sgt, %iota3A, %sign3A_4 : vector<1x10000xi32>
    %sign3A_6 = arith.extui %sign3A_5 : vector<1x10000xi1> to vector<1x10000xi32>
    %sign3A_7 = arith.constant 0 : i32
    %sign3A_8 = vector.broadcast %sign3A_7 : i32 to vector<1x10000xi32>
    %sign3A_9 = arith.cmpi slt, %iota3A, %sign3A_8 : vector<1x10000xi32>
    %sign3A_10 = arith.extui %sign3A_9 : vector<1x10000xi1> to vector<1x10000xi32>
    %sign3A_11 = arith.subi %sign3A_6, %sign3A_10 : vector<1x10000xi32>
    %sign3A_12 = arith.constant 0 : i32
    %sign3A_13 = arith.cmpi sgt, %jit3A, %sign3A_12 : i32
    %sign3A_14 = arith.extui %sign3A_13 : i1 to i32
    %sign3A_15 = arith.constant 0 : i32
    %sign3A_16 = arith.cmpi slt, %jit3A, %sign3A_15 : i32
    %sign3A_17 = arith.extui %sign3A_16 : i1 to i32
    %sign3A_18 = arith.subi %sign3A_14, %sign3A_17 : i32
    %ne3A = vector.broadcast %sign3A_18 : i32 to vector<1x10000xi32>
    %ne3A_19 = arith.cmpi ne, %sign3A_11, %ne3A : vector<1x10000xi32>
    %rem3A = vector.broadcast %jit3A : i32 to vector<1x10000xi32>
    %rem3A_20 = arith.remsi %iota3A, %rem3A : vector<1x10000xi32>
    %ne3A_21 = arith.constant 0 : i32
    %ne3A_22 = vector.broadcast %ne3A_21 : i32 to vector<1x10000xi32>
    %ne3A_23 = arith.cmpi ne, %rem3A_20, %ne3A_22 : vector<1x10000xi32>
    %and3A = arith.andi %ne3A_19, %ne3A_23 : vector<1x10000xi1>
    %sub3A = arith.constant 1 : i32
    %sub3A_24 = vector.broadcast %sub3A : i32 to vector<1x10000xi32>
    %sub3A_25 = arith.subi %div3A_3, %sub3A_24 : vector<1x10000xi32>
    %select_n3A = arith.select %and3A, %sub3A_25, %div3A_3 : vector<1x10000xi1>, vector<1x10000xi32>
    %jit3A_26 = arith.constant 25 : i32
    %div3A_27 = vector.broadcast %jit3A_26 : i32 to vector<1x10000xi32>
    %div3A_28 = arith.divsi %select_n3A, %div3A_27 : vector<1x10000xi32>
    %sign3A_29 = arith.constant 0 : i32
    %sign3A_30 = vector.broadcast %sign3A_29 : i32 to vector<1x10000xi32>
    %sign3A_31 = arith.cmpi sgt, %select_n3A, %sign3A_30 : vector<1x10000xi32>
    %sign3A_32 = arith.extui %sign3A_31 : vector<1x10000xi1> to vector<1x10000xi32>
    %sign3A_33 = arith.constant 0 : i32
    %sign3A_34 = vector.broadcast %sign3A_33 : i32 to vector<1x10000xi32>
    %sign3A_35 = arith.cmpi slt, %select_n3A, %sign3A_34 : vector<1x10000xi32>
    %sign3A_36 = arith.extui %sign3A_35 : vector<1x10000xi1> to vector<1x10000xi32>
    %sign3A_37 = arith.subi %sign3A_32, %sign3A_36 : vector<1x10000xi32>
    %sign3A_38 = arith.constant 0 : i32
    %sign3A_39 = arith.cmpi sgt, %jit3A_26, %sign3A_38 : i32
    %sign3A_40 = arith.extui %sign3A_39 : i1 to i32
    %sign3A_41 = arith.constant 0 : i32
    %sign3A_42 = arith.cmpi slt, %jit3A_26, %sign3A_41 : i32
    %sign3A_43 = arith.extui %sign3A_42 : i1 to i32
    %sign3A_44 = arith.subi %sign3A_40, %sign3A_43 : i32
    %ne3A_45 = vector.broadcast %sign3A_44 : i32 to vector<1x10000xi32>
    %ne3A_46 = arith.cmpi ne, %sign3A_37, %ne3A_45 : vector<1x10000xi32>
    %rem3A_47 = vector.broadcast %jit3A_26 : i32 to vector<1x10000xi32>
    %rem3A_48 = arith.remsi %select_n3A, %rem3A_47 : vector<1x10000xi32>
    %ne3A_49 = arith.constant 0 : i32
    %ne3A_50 = vector.broadcast %ne3A_49 : i32 to vector<1x10000xi32>
    %ne3A_51 = arith.cmpi ne, %rem3A_48, %ne3A_50 : vector<1x10000xi32>
    %and3A_52 = arith.andi %ne3A_46, %ne3A_51 : vector<1x10000xi1>
    %sub3A_53 = arith.constant 1 : i32
    %sub3A_54 = vector.broadcast %sub3A_53 : i32 to vector<1x10000xi32>
    %sub3A_55 = arith.subi %div3A_28, %sub3A_54 : vector<1x10000xi32>
    %select_n3A_56 = arith.select %and3A_52, %sub3A_55, %div3A_28 : vector<1x10000xi1>, vector<1x10000xi32>
    %mul3A = arith.constant 25 : i32
    %mul3A_57 = vector.broadcast %mul3A : i32 to vector<1x10000xi32>
    %mul3A_58 = arith.muli %select_n3A_56, %mul3A_57 : vector<1x10000xi32>
    %sub3A_59 = arith.subi %select_n3A, %mul3A_58 : vector<1x10000xi32>
    %jit3A_60 = arith.constant 5 : i32
    %div3A_61 = vector.broadcast %jit3A_60 : i32 to vector<1x10000xi32>
    %div3A_62 = arith.divsi %select_n3A_56, %div3A_61 : vector<1x10000xi32>
    %sign3A_63 = arith.constant 0 : i32
    %sign3A_64 = vector.broadcast %sign3A_63 : i32 to vector<1x10000xi32>
    %sign3A_65 = arith.cmpi sgt, %select_n3A_56, %sign3A_64 : vector<1x10000xi32>
    %sign3A_66 = arith.extui %sign3A_65 : vector<1x10000xi1> to vector<1x10000xi32>
    %sign3A_67 = arith.constant 0 : i32
    %sign3A_68 = vector.broadcast %sign3A_67 : i32 to vector<1x10000xi32>
    %sign3A_69 = arith.cmpi slt, %select_n3A_56, %sign3A_68 : vector<1x10000xi32>
    %sign3A_70 = arith.extui %sign3A_69 : vector<1x10000xi1> to vector<1x10000xi32>
    %sign3A_71 = arith.subi %sign3A_66, %sign3A_70 : vector<1x10000xi32>
    %sign3A_72 = arith.constant 0 : i32
    %sign3A_73 = arith.cmpi sgt, %jit3A_60, %sign3A_72 : i32
    %sign3A_74 = arith.extui %sign3A_73 : i1 to i32
    %sign3A_75 = arith.constant 0 : i32
    %sign3A_76 = arith.cmpi slt, %jit3A_60, %sign3A_75 : i32
    %sign3A_77 = arith.extui %sign3A_76 : i1 to i32
    %sign3A_78 = arith.subi %sign3A_74, %sign3A_77 : i32
    %ne3A_79 = vector.broadcast %sign3A_78 : i32 to vector<1x10000xi32>
    %ne3A_80 = arith.cmpi ne, %sign3A_71, %ne3A_79 : vector<1x10000xi32>
    %rem3A_81 = vector.broadcast %jit3A_60 : i32 to vector<1x10000xi32>
    %rem3A_82 = arith.remsi %select_n3A_56, %rem3A_81 : vector<1x10000xi32>
    %ne3A_83 = arith.constant 0 : i32
    %ne3A_84 = vector.broadcast %ne3A_83 : i32 to vector<1x10000xi32>
    %ne3A_85 = arith.cmpi ne, %rem3A_82, %ne3A_84 : vector<1x10000xi32>
    %and3A_86 = arith.andi %ne3A_80, %ne3A_85 : vector<1x10000xi1>
    %sub3A_87 = arith.constant 1 : i32
    %sub3A_88 = vector.broadcast %sub3A_87 : i32 to vector<1x10000xi32>
    %sub3A_89 = arith.subi %div3A_62, %sub3A_88 : vector<1x10000xi32>
    %select_n3A_90 = arith.select %and3A_86, %sub3A_89, %div3A_62 : vector<1x10000xi1>, vector<1x10000xi32>
    %mul3A_91 = arith.constant 5 : i32
    %mul3A_92 = vector.broadcast %mul3A_91 : i32 to vector<1x10000xi32>
    %mul3A_93 = arith.muli %select_n3A_90, %mul3A_92 : vector<1x10000xi32>
    %sub3A_94 = arith.subi %select_n3A_56, %mul3A_93 : vector<1x10000xi32>
    %jit3A_95 = arith.constant 5 : i32
    %div3A_96 = vector.broadcast %jit3A_95 : i32 to vector<1x10000xi32>
    %div3A_97 = arith.divsi %sub3A_59, %div3A_96 : vector<1x10000xi32>
    %sign3A_98 = arith.constant 0 : i32
    %sign3A_99 = vector.broadcast %sign3A_98 : i32 to vector<1x10000xi32>
    %sign3A_100 = arith.cmpi sgt, %sub3A_59, %sign3A_99 : vector<1x10000xi32>
    %sign3A_101 = arith.extui %sign3A_100 : vector<1x10000xi1> to vector<1x10000xi32>
    %sign3A_102 = arith.constant 0 : i32
    %sign3A_103 = vector.broadcast %sign3A_102 : i32 to vector<1x10000xi32>
    %sign3A_104 = arith.cmpi slt, %sub3A_59, %sign3A_103 : vector<1x10000xi32>
    %sign3A_105 = arith.extui %sign3A_104 : vector<1x10000xi1> to vector<1x10000xi32>
    %sign3A_106 = arith.subi %sign3A_101, %sign3A_105 : vector<1x10000xi32>
    %sign3A_107 = arith.constant 0 : i32
    %sign3A_108 = arith.cmpi sgt, %jit3A_95, %sign3A_107 : i32
    %sign3A_109 = arith.extui %sign3A_108 : i1 to i32
    %sign3A_110 = arith.constant 0 : i32
    %sign3A_111 = arith.cmpi slt, %jit3A_95, %sign3A_110 : i32
    %sign3A_112 = arith.extui %sign3A_111 : i1 to i32
    %sign3A_113 = arith.subi %sign3A_109, %sign3A_112 : i32
    %ne3A_114 = vector.broadcast %sign3A_113 : i32 to vector<1x10000xi32>
    %ne3A_115 = arith.cmpi ne, %sign3A_106, %ne3A_114 : vector<1x10000xi32>
    %rem3A_116 = vector.broadcast %jit3A_95 : i32 to vector<1x10000xi32>
    %rem3A_117 = arith.remsi %sub3A_59, %rem3A_116 : vector<1x10000xi32>
    %ne3A_118 = arith.constant 0 : i32
    %ne3A_119 = vector.broadcast %ne3A_118 : i32 to vector<1x10000xi32>
    %ne3A_120 = arith.cmpi ne, %rem3A_117, %ne3A_119 : vector<1x10000xi32>
    %and3A_121 = arith.andi %ne3A_115, %ne3A_120 : vector<1x10000xi1>
    %sub3A_122 = arith.constant 1 : i32
    %sub3A_123 = vector.broadcast %sub3A_122 : i32 to vector<1x10000xi32>
    %sub3A_124 = arith.subi %div3A_97, %sub3A_123 : vector<1x10000xi32>
    %select_n3A_125 = arith.select %and3A_121, %sub3A_124, %div3A_97 : vector<1x10000xi1>, vector<1x10000xi32>
    %mul3A_126 = arith.constant 5 : i32
    %mul3A_127 = vector.broadcast %mul3A_126 : i32 to vector<1x10000xi32>
    %mul3A_128 = arith.muli %select_n3A_125, %mul3A_127 : vector<1x10000xi32>
    %sub3A_129 = arith.subi %sub3A_59, %mul3A_128 : vector<1x10000xi32>
    %iota3A_130 = tpu.iota {dimensions = array<i32: 1>} : vector<1x128xi32>
    %broadcast_in_dim3A_131 = arith.constant 0.000000e+00 : f32
    %broadcast_in_dim3A_132 = vector.broadcast %broadcast_in_dim3A_131 : f32 to vector<1x128xf32>
    %eq3A = arith.constant 0 : i32
    %eq3A_133 = vector.broadcast %eq3A : i32 to vector<1x10000xi32>
    %eq3A_134 = arith.cmpi eq, %select_n3A_56, %eq3A_133 : vector<1x10000xi32>
    %convert_element_type3A = arith.extui %eq3A_134 : vector<1x10000xi1> to vector<1x10000xi32>
    %convert_element_type3A_135 = arith.sitofp %convert_element_type3A : vector<1x10000xi32> to vector<1x10000xf32>
    %eq3A_136 = arith.constant 0 : i32
    %eq3A_137 = vector.broadcast %eq3A_136 : i32 to vector<1x10000xi32>
    %eq3A_138 = arith.cmpi eq, %sub3A_59, %eq3A_137 : vector<1x10000xi32>
    %convert_element_type3A_139 = arith.extui %eq3A_138 : vector<1x10000xi1> to vector<1x10000xi32>
    %convert_element_type3A_140 = arith.sitofp %convert_element_type3A_139 : vector<1x10000xi32> to vector<1x10000xf32>
    %add3A = arith.addf %convert_element_type3A_135, %convert_element_type3A_140 : vector<1x10000xf32>
    %eq3A_141 = arith.constant 0 : i32
    %eq3A_142 = vector.broadcast %eq3A_141 : i32 to vector<1x10000xi32>
    %eq3A_143 = arith.cmpi eq, %select_n3A_90, %eq3A_142 : vector<1x10000xi32>
    %convert_element_type3A_144 = arith.extui %eq3A_143 : vector<1x10000xi1> to vector<1x10000xi32>
    %convert_element_type3A_145 = arith.sitofp %convert_element_type3A_144 : vector<1x10000xi32> to vector<1x10000xf32>
    %eq3A_146 = arith.constant 0 : i32
    %eq3A_147 = vector.broadcast %eq3A_146 : i32 to vector<1x10000xi32>
    %eq3A_148 = arith.cmpi eq, %select_n3A_125, %eq3A_147 : vector<1x10000xi32>
    %convert_element_type3A_149 = arith.extui %eq3A_148 : vector<1x10000xi1> to vector<1x10000xi32>
    %convert_element_type3A_150 = arith.sitofp %convert_element_type3A_149 : vector<1x10000xi32> to vector<1x10000xf32>
    %add3A_151 = arith.addf %convert_element_type3A_145, %convert_element_type3A_150 : vector<1x10000xf32>
    %eq3A_152 = arith.constant 0 : i32
    %eq3A_153 = vector.broadcast %eq3A_152 : i32 to vector<1x10000xi32>
    %eq3A_154 = arith.cmpi eq, %sub3A_94, %eq3A_153 : vector<1x10000xi32>
    %convert_element_type3A_155 = arith.extui %eq3A_154 : vector<1x10000xi1> to vector<1x10000xi32>
    %convert_element_type3A_156 = arith.sitofp %convert_element_type3A_155 : vector<1x10000xi32> to vector<1x10000xf32>
    %eq3A_157 = arith.constant 0 : i32
    %eq3A_158 = vector.broadcast %eq3A_157 : i32 to vector<1x10000xi32>
    %eq3A_159 = arith.cmpi eq, %sub3A_129, %eq3A_158 : vector<1x10000xi32>
    %convert_element_type3A_160 = arith.extui %eq3A_159 : vector<1x10000xi1> to vector<1x10000xi32>
    %convert_element_type3A_161 = arith.sitofp %convert_element_type3A_160 : vector<1x10000xi32> to vector<1x10000xf32>
    %add3A_162 = arith.addf %convert_element_type3A_156, %convert_element_type3A_161 : vector<1x10000xf32>
    %mul3A_163 = arith.mulf %broadcast_in_dim3A, %add3A : vector<1x10000xf32>
    %reduce_sum3A_164 = vector.shape_cast %mul3A_163 : vector<1x10000xf32> to vector<1x1x10000xf32>
    %reduce_sum3A_165 = arith.constant dense<0.000000e+00> : vector<1xf32>
    %reduce_sum3A_166 = vector.multi_reduction <add>, %reduce_sum3A_164, %reduce_sum3A_165 [1, 2] : vector<1x1x10000xf32> to vector<1xf32>
    %reduce_sum3A_167 = vector.shape_cast %reduce_sum3A_166 : vector<1xf32> to vector<1x1x1xf32>
    %reduce_sum3A_168 = vector.extract %reduce_sum3A_167[0, 0, 0] : f32 from vector<1x1x1xf32>
    %mul3A_169 = arith.mulf %broadcast_in_dim3A, %add3A_151 : vector<1x10000xf32>
    %reduce_sum3A_170 = vector.shape_cast %mul3A_169 : vector<1x10000xf32> to vector<1x1x10000xf32>
    %reduce_sum3A_171 = arith.constant dense<0.000000e+00> : vector<1xf32>
    %reduce_sum3A_172 = vector.multi_reduction <add>, %reduce_sum3A_170, %reduce_sum3A_171 [1, 2] : vector<1x1x10000xf32> to vector<1xf32>
    %reduce_sum3A_173 = vector.shape_cast %reduce_sum3A_172 : vector<1xf32> to vector<1x1x1xf32>
    %reduce_sum3A_174 = vector.extract %reduce_sum3A_173[0, 0, 0] : f32 from vector<1x1x1xf32>
    %mul3A_175 = arith.mulf %broadcast_in_dim3A, %add3A_162 : vector<1x10000xf32>
    %reduce_sum3A_176 = vector.shape_cast %mul3A_175 : vector<1x10000xf32> to vector<1x1x10000xf32>
    %reduce_sum3A_177 = arith.constant dense<0.000000e+00> : vector<1xf32>
    %reduce_sum3A_178 = vector.multi_reduction <add>, %reduce_sum3A_176, %reduce_sum3A_177 [1, 2] : vector<1x1x10000xf32> to vector<1xf32>
    %reduce_sum3A_179 = vector.shape_cast %reduce_sum3A_178 : vector<1xf32> to vector<1x1x1xf32>
    %reduce_sum3A_180 = vector.extract %reduce_sum3A_179[0, 0, 0] : f32 from vector<1x1x1xf32>
    %mul3A_181 = arith.constant 2.000000e+00 : f32
    %mul3A_182 = arith.mulf %mul3A_181, %reduce_sum3A_168 : f32
    %add3A_183 = arith.addf %reduce_sum3A_174, %reduce_sum3A_180 : f32
    %div3A_184 = arith.divf %mul3A_182, %add3A_183 : f32
    %eq3A_185 = arith.constant 0 : i32
    %eq3A_186 = vector.broadcast %eq3A_185 : i32 to vector<1x128xi32>
    %eq3A_187 = arith.cmpi eq, %iota3A_130, %eq3A_186 : vector<1x128xi32>
    %jit3A_188 = arith.constant 0.000000e+00 : f32
    %broadcast_in_dim3A_189 = vector.broadcast %div3A_184 : f32 to vector<1x128xf32>
    %broadcast_in_dim3A_190 = vector.broadcast %jit3A_188 : f32 to vector<1x128xf32>
    %select_n3A_191 = arith.select %eq3A_187, %broadcast_in_dim3A_189, %broadcast_in_dim3A_190 : vector<1x128xi1>, vector<1x128xf32>
    %add3A_192 = arith.addf %broadcast_in_dim3A_132, %select_n3A_191 : vector<1x128xf32>
    %eq3A_193 = arith.constant 6 : i32
    %eq3A_194 = vector.broadcast %eq3A_193 : i32 to vector<1x10000xi32>
    %eq3A_195 = arith.cmpi eq, %select_n3A_56, %eq3A_194 : vector<1x10000xi32>
    %convert_element_type3A_196 = arith.extui %eq3A_195 : vector<1x10000xi1> to vector<1x10000xi32>
    %convert_element_type3A_197 = arith.sitofp %convert_element_type3A_196 : vector<1x10000xi32> to vector<1x10000xf32>
    %eq3A_198 = arith.constant 6 : i32
    %eq3A_199 = vector.broadcast %eq3A_198 : i32 to vector<1x10000xi32>
    %eq3A_200 = arith.cmpi eq, %sub3A_59, %eq3A_199 : vector<1x10000xi32>
    %convert_element_type3A_201 = arith.extui %eq3A_200 : vector<1x10000xi1> to vector<1x10000xi32>
    %convert_element_type3A_202 = arith.sitofp %convert_element_type3A_201 : vector<1x10000xi32> to vector<1x10000xf32>
    %add3A_203 = arith.addf %convert_element_type3A_197, %convert_element_type3A_202 : vector<1x10000xf32>
    %eq3A_204 = arith.constant 1 : i32
    %eq3A_205 = vector.broadcast %eq3A_204 : i32 to vector<1x10000xi32>
    %eq3A_206 = arith.cmpi eq, %select_n3A_90, %eq3A_205 : vector<1x10000xi32>
    %convert_element_type3A_207 = arith.extui %eq3A_206 : vector<1x10000xi1> to vector<1x10000xi32>
    %convert_element_type3A_208 = arith.sitofp %convert_element_type3A_207 : vector<1x10000xi32> to vector<1x10000xf32>
    %eq3A_209 = arith.constant 1 : i32
    %eq3A_210 = vector.broadcast %eq3A_209 : i32 to vector<1x10000xi32>
    %eq3A_211 = arith.cmpi eq, %select_n3A_125, %eq3A_210 : vector<1x10000xi32>
    %convert_element_type3A_212 = arith.extui %eq3A_211 : vector<1x10000xi1> to vector<1x10000xi32>
    %convert_element_type3A_213 = arith.sitofp %convert_element_type3A_212 : vector<1x10000xi32> to vector<1x10000xf32>
    %add3A_214 = arith.addf %convert_element_type3A_208, %convert_element_type3A_213 : vector<1x10000xf32>
    %eq3A_215 = arith.constant 1 : i32
    %eq3A_216 = vector.broadcast %eq3A_215 : i32 to vector<1x10000xi32>
    %eq3A_217 = arith.cmpi eq, %sub3A_94, %eq3A_216 : vector<1x10000xi32>
    %convert_element_type3A_218 = arith.extui %eq3A_217 : vector<1x10000xi1> to vector<1x10000xi32>
    %convert_element_type3A_219 = arith.sitofp %convert_element_type3A_218 : vector<1x10000xi32> to vector<1x10000xf32>
    %eq3A_220 = arith.constant 1 : i32
    %eq3A_221 = vector.broadcast %eq3A_220 : i32 to vector<1x10000xi32>
    %eq3A_222 = arith.cmpi eq, %sub3A_129, %eq3A_221 : vector<1x10000xi32>
    %convert_element_type3A_223 = arith.extui %eq3A_222 : vector<1x10000xi1> to vector<1x10000xi32>
    %convert_element_type3A_224 = arith.sitofp %convert_element_type3A_223 : vector<1x10000xi32> to vector<1x10000xf32>
    %add3A_225 = arith.addf %convert_element_type3A_219, %convert_element_type3A_224 : vector<1x10000xf32>
    %mul3A_226 = arith.mulf %broadcast_in_dim3A, %add3A_203 : vector<1x10000xf32>
    %reduce_sum3A_227 = vector.shape_cast %mul3A_226 : vector<1x10000xf32> to vector<1x1x10000xf32>
    %reduce_sum3A_228 = arith.constant dense<0.000000e+00> : vector<1xf32>
    %reduce_sum3A_229 = vector.multi_reduction <add>, %reduce_sum3A_227, %reduce_sum3A_228 [1, 2] : vector<1x1x10000xf32> to vector<1xf32>
    %reduce_sum3A_230 = vector.shape_cast %reduce_sum3A_229 : vector<1xf32> to vector<1x1x1xf32>
    %reduce_sum3A_231 = vector.extract %reduce_sum3A_230[0, 0, 0] : f32 from vector<1x1x1xf32>
    %mul3A_232 = arith.mulf %broadcast_in_dim3A, %add3A_214 : vector<1x10000xf32>
    %reduce_sum3A_233 = vector.shape_cast %mul3A_232 : vector<1x10000xf32> to vector<1x1x10000xf32>
    %reduce_sum3A_234 = arith.constant dense<0.000000e+00> : vector<1xf32>
    %reduce_sum3A_235 = vector.multi_reduction <add>, %reduce_sum3A_233, %reduce_sum3A_234 [1, 2] : vector<1x1x10000xf32> to vector<1xf32>
    %reduce_sum3A_236 = vector.shape_cast %reduce_sum3A_235 : vector<1xf32> to vector<1x1x1xf32>
    %reduce_sum3A_237 = vector.extract %reduce_sum3A_236[0, 0, 0] : f32 from vector<1x1x1xf32>
    %mul3A_238 = arith.mulf %broadcast_in_dim3A, %add3A_225 : vector<1x10000xf32>
    %reduce_sum3A_239 = vector.shape_cast %mul3A_238 : vector<1x10000xf32> to vector<1x1x10000xf32>
    %reduce_sum3A_240 = arith.constant dense<0.000000e+00> : vector<1xf32>
    %reduce_sum3A_241 = vector.multi_reduction <add>, %reduce_sum3A_239, %reduce_sum3A_240 [1, 2] : vector<1x1x10000xf32> to vector<1xf32>
    %reduce_sum3A_242 = vector.shape_cast %reduce_sum3A_241 : vector<1xf32> to vector<1x1x1xf32>
    %reduce_sum3A_243 = vector.extract %reduce_sum3A_242[0, 0, 0] : f32 from vector<1x1x1xf32>
    %mul3A_244 = arith.constant 2.000000e+00 : f32
    %mul3A_245 = arith.mulf %mul3A_244, %reduce_sum3A_231 : f32
    %add3A_246 = arith.addf %reduce_sum3A_237, %reduce_sum3A_243 : f32
    %div3A_247 = arith.divf %mul3A_245, %add3A_246 : f32
    %eq3A_248 = arith.constant 1 : i32
    %eq3A_249 = vector.broadcast %eq3A_248 : i32 to vector<1x128xi32>
    %eq3A_250 = arith.cmpi eq, %iota3A_130, %eq3A_249 : vector<1x128xi32>
    %jit3A_251 = arith.constant 0.000000e+00 : f32
    %broadcast_in_dim3A_252 = vector.broadcast %div3A_247 : f32 to vector<1x128xf32>
    %broadcast_in_dim3A_253 = vector.broadcast %jit3A_251 : f32 to vector<1x128xf32>
    %select_n3A_254 = arith.select %eq3A_250, %broadcast_in_dim3A_252, %broadcast_in_dim3A_253 : vector<1x128xi1>, vector<1x128xf32>
    %add3A_255 = arith.addf %add3A_192, %select_n3A_254 : vector<1x128xf32>
    %eq3A_256 = arith.constant 12 : i32
    %eq3A_257 = vector.broadcast %eq3A_256 : i32 to vector<1x10000xi32>
    %eq3A_258 = arith.cmpi eq, %select_n3A_56, %eq3A_257 : vector<1x10000xi32>
    %convert_element_type3A_259 = arith.extui %eq3A_258 : vector<1x10000xi1> to vector<1x10000xi32>
    %convert_element_type3A_260 = arith.sitofp %convert_element_type3A_259 : vector<1x10000xi32> to vector<1x10000xf32>
    %eq3A_261 = arith.constant 12 : i32
    %eq3A_262 = vector.broadcast %eq3A_261 : i32 to vector<1x10000xi32>
    %eq3A_263 = arith.cmpi eq, %sub3A_59, %eq3A_262 : vector<1x10000xi32>
    %convert_element_type3A_264 = arith.extui %eq3A_263 : vector<1x10000xi1> to vector<1x10000xi32>
    %convert_element_type3A_265 = arith.sitofp %convert_element_type3A_264 : vector<1x10000xi32> to vector<1x10000xf32>
    %add3A_266 = arith.addf %convert_element_type3A_260, %convert_element_type3A_265 : vector<1x10000xf32>
    %eq3A_267 = arith.constant 2 : i32
    %eq3A_268 = vector.broadcast %eq3A_267 : i32 to vector<1x10000xi32>
    %eq3A_269 = arith.cmpi eq, %select_n3A_90, %eq3A_268 : vector<1x10000xi32>
    %convert_element_type3A_270 = arith.extui %eq3A_269 : vector<1x10000xi1> to vector<1x10000xi32>
    %convert_element_type3A_271 = arith.sitofp %convert_element_type3A_270 : vector<1x10000xi32> to vector<1x10000xf32>
    %eq3A_272 = arith.constant 2 : i32
    %eq3A_273 = vector.broadcast %eq3A_272 : i32 to vector<1x10000xi32>
    %eq3A_274 = arith.cmpi eq, %select_n3A_125, %eq3A_273 : vector<1x10000xi32>
    %convert_element_type3A_275 = arith.extui %eq3A_274 : vector<1x10000xi1> to vector<1x10000xi32>
    %convert_element_type3A_276 = arith.sitofp %convert_element_type3A_275 : vector<1x10000xi32> to vector<1x10000xf32>
    %add3A_277 = arith.addf %convert_element_type3A_271, %convert_element_type3A_276 : vector<1x10000xf32>
    %eq3A_278 = arith.constant 2 : i32
    %eq3A_279 = vector.broadcast %eq3A_278 : i32 to vector<1x10000xi32>
    %eq3A_280 = arith.cmpi eq, %sub3A_94, %eq3A_279 : vector<1x10000xi32>
    %convert_element_type3A_281 = arith.extui %eq3A_280 : vector<1x10000xi1> to vector<1x10000xi32>
    %convert_element_type3A_282 = arith.sitofp %convert_element_type3A_281 : vector<1x10000xi32> to vector<1x10000xf32>
    %eq3A_283 = arith.constant 2 : i32
    %eq3A_284 = vector.broadcast %eq3A_283 : i32 to vector<1x10000xi32>
    %eq3A_285 = arith.cmpi eq, %sub3A_129, %eq3A_284 : vector<1x10000xi32>
    %convert_element_type3A_286 = arith.extui %eq3A_285 : vector<1x10000xi1> to vector<1x10000xi32>
    %convert_element_type3A_287 = arith.sitofp %convert_element_type3A_286 : vector<1x10000xi32> to vector<1x10000xf32>
    %add3A_288 = arith.addf %convert_element_type3A_282, %convert_element_type3A_287 : vector<1x10000xf32>
    %mul3A_289 = arith.mulf %broadcast_in_dim3A, %add3A_266 : vector<1x10000xf32>
    %reduce_sum3A_290 = vector.shape_cast %mul3A_289 : vector<1x10000xf32> to vector<1x1x10000xf32>
    %reduce_sum3A_291 = arith.constant dense<0.000000e+00> : vector<1xf32>
    %reduce_sum3A_292 = vector.multi_reduction <add>, %reduce_sum3A_290, %reduce_sum3A_291 [1, 2] : vector<1x1x10000xf32> to vector<1xf32>
    %reduce_sum3A_293 = vector.shape_cast %reduce_sum3A_292 : vector<1xf32> to vector<1x1x1xf32>
    %reduce_sum3A_294 = vector.extract %reduce_sum3A_293[0, 0, 0] : f32 from vector<1x1x1xf32>
    %mul3A_295 = arith.mulf %broadcast_in_dim3A, %add3A_277 : vector<1x10000xf32>
    %reduce_sum3A_296 = vector.shape_cast %mul3A_295 : vector<1x10000xf32> to vector<1x1x10000xf32>
    %reduce_sum3A_297 = arith.constant dense<0.000000e+00> : vector<1xf32>
    %reduce_sum3A_298 = vector.multi_reduction <add>, %reduce_sum3A_296, %reduce_sum3A_297 [1, 2] : vector<1x1x10000xf32> to vector<1xf32>
    %reduce_sum3A_299 = vector.shape_cast %reduce_sum3A_298 : vector<1xf32> to vector<1x1x1xf32>
    %reduce_sum3A_300 = vector.extract %reduce_sum3A_299[0, 0, 0] : f32 from vector<1x1x1xf32>
    %mul3A_301 = arith.mulf %broadcast_in_dim3A, %add3A_288 : vector<1x10000xf32>
    %reduce_sum3A_302 = vector.shape_cast %mul3A_301 : vector<1x10000xf32> to vector<1x1x10000xf32>
    %reduce_sum3A_303 = arith.constant dense<0.000000e+00> : vector<1xf32>
    %reduce_sum3A_304 = vector.multi_reduction <add>, %reduce_sum3A_302, %reduce_sum3A_303 [1, 2] : vector<1x1x10000xf32> to vector<1xf32>
    %reduce_sum3A_305 = vector.shape_cast %reduce_sum3A_304 : vector<1xf32> to vector<1x1x1xf32>
    %reduce_sum3A_306 = vector.extract %reduce_sum3A_305[0, 0, 0] : f32 from vector<1x1x1xf32>
    %mul3A_307 = arith.constant 2.000000e+00 : f32
    %mul3A_308 = arith.mulf %mul3A_307, %reduce_sum3A_294 : f32
    %add3A_309 = arith.addf %reduce_sum3A_300, %reduce_sum3A_306 : f32
    %div3A_310 = arith.divf %mul3A_308, %add3A_309 : f32
    %eq3A_311 = arith.constant 2 : i32
    %eq3A_312 = vector.broadcast %eq3A_311 : i32 to vector<1x128xi32>
    %eq3A_313 = arith.cmpi eq, %iota3A_130, %eq3A_312 : vector<1x128xi32>
    %jit3A_314 = arith.constant 0.000000e+00 : f32
    %broadcast_in_dim3A_315 = vector.broadcast %div3A_310 : f32 to vector<1x128xf32>
    %broadcast_in_dim3A_316 = vector.broadcast %jit3A_314 : f32 to vector<1x128xf32>
    %select_n3A_317 = arith.select %eq3A_313, %broadcast_in_dim3A_315, %broadcast_in_dim3A_316 : vector<1x128xi1>, vector<1x128xf32>
    %add3A_318 = arith.addf %add3A_255, %select_n3A_317 : vector<1x128xf32>
    %eq3A_319 = arith.constant 18 : i32
    %eq3A_320 = vector.broadcast %eq3A_319 : i32 to vector<1x10000xi32>
    %eq3A_321 = arith.cmpi eq, %select_n3A_56, %eq3A_320 : vector<1x10000xi32>
    %convert_element_type3A_322 = arith.extui %eq3A_321 : vector<1x10000xi1> to vector<1x10000xi32>
    %convert_element_type3A_323 = arith.sitofp %convert_element_type3A_322 : vector<1x10000xi32> to vector<1x10000xf32>
    %eq3A_324 = arith.constant 18 : i32
    %eq3A_325 = vector.broadcast %eq3A_324 : i32 to vector<1x10000xi32>
    %eq3A_326 = arith.cmpi eq, %sub3A_59, %eq3A_325 : vector<1x10000xi32>
    %convert_element_type3A_327 = arith.extui %eq3A_326 : vector<1x10000xi1> to vector<1x10000xi32>
    %convert_element_type3A_328 = arith.sitofp %convert_element_type3A_327 : vector<1x10000xi32> to vector<1x10000xf32>
    %add3A_329 = arith.addf %convert_element_type3A_323, %convert_element_type3A_328 : vector<1x10000xf32>
    %eq3A_330 = arith.constant 3 : i32
    %eq3A_331 = vector.broadcast %eq3A_330 : i32 to vector<1x10000xi32>
    %eq3A_332 = arith.cmpi eq, %select_n3A_90, %eq3A_331 : vector<1x10000xi32>
    %convert_element_type3A_333 = arith.extui %eq3A_332 : vector<1x10000xi1> to vector<1x10000xi32>
    %convert_element_type3A_334 = arith.sitofp %convert_element_type3A_333 : vector<1x10000xi32> to vector<1x10000xf32>
    %eq3A_335 = arith.constant 3 : i32
    %eq3A_336 = vector.broadcast %eq3A_335 : i32 to vector<1x10000xi32>
    %eq3A_337 = arith.cmpi eq, %select_n3A_125, %eq3A_336 : vector<1x10000xi32>
    %convert_element_type3A_338 = arith.extui %eq3A_337 : vector<1x10000xi1> to vector<1x10000xi32>
    %convert_element_type3A_339 = arith.sitofp %convert_element_type3A_338 : vector<1x10000xi32> to vector<1x10000xf32>
    %add3A_340 = arith.addf %convert_element_type3A_334, %convert_element_type3A_339 : vector<1x10000xf32>
    %eq3A_341 = arith.constant 3 : i32
    %eq3A_342 = vector.broadcast %eq3A_341 : i32 to vector<1x10000xi32>
    %eq3A_343 = arith.cmpi eq, %sub3A_94, %eq3A_342 : vector<1x10000xi32>
    %convert_element_type3A_344 = arith.extui %eq3A_343 : vector<1x10000xi1> to vector<1x10000xi32>
    %convert_element_type3A_345 = arith.sitofp %convert_element_type3A_344 : vector<1x10000xi32> to vector<1x10000xf32>
    %eq3A_346 = arith.constant 3 : i32
    %eq3A_347 = vector.broadcast %eq3A_346 : i32 to vector<1x10000xi32>
    %eq3A_348 = arith.cmpi eq, %sub3A_129, %eq3A_347 : vector<1x10000xi32>
    %convert_element_type3A_349 = arith.extui %eq3A_348 : vector<1x10000xi1> to vector<1x10000xi32>
    %convert_element_type3A_350 = arith.sitofp %convert_element_type3A_349 : vector<1x10000xi32> to vector<1x10000xf32>
    %add3A_351 = arith.addf %convert_element_type3A_345, %convert_element_type3A_350 : vector<1x10000xf32>
    %mul3A_352 = arith.mulf %broadcast_in_dim3A, %add3A_329 : vector<1x10000xf32>
    %reduce_sum3A_353 = vector.shape_cast %mul3A_352 : vector<1x10000xf32> to vector<1x1x10000xf32>
    %reduce_sum3A_354 = arith.constant dense<0.000000e+00> : vector<1xf32>
    %reduce_sum3A_355 = vector.multi_reduction <add>, %reduce_sum3A_353, %reduce_sum3A_354 [1, 2] : vector<1x1x10000xf32> to vector<1xf32>
    %reduce_sum3A_356 = vector.shape_cast %reduce_sum3A_355 : vector<1xf32> to vector<1x1x1xf32>
    %reduce_sum3A_357 = vector.extract %reduce_sum3A_356[0, 0, 0] : f32 from vector<1x1x1xf32>
    %mul3A_358 = arith.mulf %broadcast_in_dim3A, %add3A_340 : vector<1x10000xf32>
    %reduce_sum3A_359 = vector.shape_cast %mul3A_358 : vector<1x10000xf32> to vector<1x1x10000xf32>
    %reduce_sum3A_360 = arith.constant dense<0.000000e+00> : vector<1xf32>
    %reduce_sum3A_361 = vector.multi_reduction <add>, %reduce_sum3A_359, %reduce_sum3A_360 [1, 2] : vector<1x1x10000xf32> to vector<1xf32>
    %reduce_sum3A_362 = vector.shape_cast %reduce_sum3A_361 : vector<1xf32> to vector<1x1x1xf32>
    %reduce_sum3A_363 = vector.extract %reduce_sum3A_362[0, 0, 0] : f32 from vector<1x1x1xf32>
    %mul3A_364 = arith.mulf %broadcast_in_dim3A, %add3A_351 : vector<1x10000xf32>
    %reduce_sum3A_365 = vector.shape_cast %mul3A_364 : vector<1x10000xf32> to vector<1x1x10000xf32>
    %reduce_sum3A_366 = arith.constant dense<0.000000e+00> : vector<1xf32>
    %reduce_sum3A_367 = vector.multi_reduction <add>, %reduce_sum3A_365, %reduce_sum3A_366 [1, 2] : vector<1x1x10000xf32> to vector<1xf32>
    %reduce_sum3A_368 = vector.shape_cast %reduce_sum3A_367 : vector<1xf32> to vector<1x1x1xf32>
    %reduce_sum3A_369 = vector.extract %reduce_sum3A_368[0, 0, 0] : f32 from vector<1x1x1xf32>
    %mul3A_370 = arith.constant 2.000000e+00 : f32
    %mul3A_371 = arith.mulf %mul3A_370, %reduce_sum3A_357 : f32
    %add3A_372 = arith.addf %reduce_sum3A_363, %reduce_sum3A_369 : f32
    %div3A_373 = arith.divf %mul3A_371, %add3A_372 : f32
    %eq3A_374 = arith.constant 3 : i32
    %eq3A_375 = vector.broadcast %eq3A_374 : i32 to vector<1x128xi32>
    %eq3A_376 = arith.cmpi eq, %iota3A_130, %eq3A_375 : vector<1x128xi32>
    %jit3A_377 = arith.constant 0.000000e+00 : f32
    %broadcast_in_dim3A_378 = vector.broadcast %div3A_373 : f32 to vector<1x128xf32>
    %broadcast_in_dim3A_379 = vector.broadcast %jit3A_377 : f32 to vector<1x128xf32>
    %select_n3A_380 = arith.select %eq3A_376, %broadcast_in_dim3A_378, %broadcast_in_dim3A_379 : vector<1x128xi1>, vector<1x128xf32>
    %add3A_381 = arith.addf %add3A_318, %select_n3A_380 : vector<1x128xf32>
    %eq3A_382 = arith.constant 24 : i32
    %eq3A_383 = vector.broadcast %eq3A_382 : i32 to vector<1x10000xi32>
    %eq3A_384 = arith.cmpi eq, %select_n3A_56, %eq3A_383 : vector<1x10000xi32>
    %convert_element_type3A_385 = arith.extui %eq3A_384 : vector<1x10000xi1> to vector<1x10000xi32>
    %convert_element_type3A_386 = arith.sitofp %convert_element_type3A_385 : vector<1x10000xi32> to vector<1x10000xf32>
    %eq3A_387 = arith.constant 24 : i32
    %eq3A_388 = vector.broadcast %eq3A_387 : i32 to vector<1x10000xi32>
    %eq3A_389 = arith.cmpi eq, %sub3A_59, %eq3A_388 : vector<1x10000xi32>
    %convert_element_type3A_390 = arith.extui %eq3A_389 : vector<1x10000xi1> to vector<1x10000xi32>
    %convert_element_type3A_391 = arith.sitofp %convert_element_type3A_390 : vector<1x10000xi32> to vector<1x10000xf32>
    %add3A_392 = arith.addf %convert_element_type3A_386, %convert_element_type3A_391 : vector<1x10000xf32>
    %eq3A_393 = arith.constant 4 : i32
    %eq3A_394 = vector.broadcast %eq3A_393 : i32 to vector<1x10000xi32>
    %eq3A_395 = arith.cmpi eq, %select_n3A_90, %eq3A_394 : vector<1x10000xi32>
    %convert_element_type3A_396 = arith.extui %eq3A_395 : vector<1x10000xi1> to vector<1x10000xi32>
    %convert_element_type3A_397 = arith.sitofp %convert_element_type3A_396 : vector<1x10000xi32> to vector<1x10000xf32>
    %eq3A_398 = arith.constant 4 : i32
    %eq3A_399 = vector.broadcast %eq3A_398 : i32 to vector<1x10000xi32>
    %eq3A_400 = arith.cmpi eq, %select_n3A_125, %eq3A_399 : vector<1x10000xi32>
    %convert_element_type3A_401 = arith.extui %eq3A_400 : vector<1x10000xi1> to vector<1x10000xi32>
    %convert_element_type3A_402 = arith.sitofp %convert_element_type3A_401 : vector<1x10000xi32> to vector<1x10000xf32>
    %add3A_403 = arith.addf %convert_element_type3A_397, %convert_element_type3A_402 : vector<1x10000xf32>
    %eq3A_404 = arith.constant 4 : i32
    %eq3A_405 = vector.broadcast %eq3A_404 : i32 to vector<1x10000xi32>
    %eq3A_406 = arith.cmpi eq, %sub3A_94, %eq3A_405 : vector<1x10000xi32>
    %convert_element_type3A_407 = arith.extui %eq3A_406 : vector<1x10000xi1> to vector<1x10000xi32>
    %convert_element_type3A_408 = arith.sitofp %convert_element_type3A_407 : vector<1x10000xi32> to vector<1x10000xf32>
    %eq3A_409 = arith.constant 4 : i32
    %eq3A_410 = vector.broadcast %eq3A_409 : i32 to vector<1x10000xi32>
    %eq3A_411 = arith.cmpi eq, %sub3A_129, %eq3A_410 : vector<1x10000xi32>
    %convert_element_type3A_412 = arith.extui %eq3A_411 : vector<1x10000xi1> to vector<1x10000xi32>
    %convert_element_type3A_413 = arith.sitofp %convert_element_type3A_412 : vector<1x10000xi32> to vector<1x10000xf32>
    %add3A_414 = arith.addf %convert_element_type3A_408, %convert_element_type3A_413 : vector<1x10000xf32>
    %mul3A_415 = arith.mulf %broadcast_in_dim3A, %add3A_392 : vector<1x10000xf32>
    %reduce_sum3A_416 = vector.shape_cast %mul3A_415 : vector<1x10000xf32> to vector<1x1x10000xf32>
    %reduce_sum3A_417 = arith.constant dense<0.000000e+00> : vector<1xf32>
    %reduce_sum3A_418 = vector.multi_reduction <add>, %reduce_sum3A_416, %reduce_sum3A_417 [1, 2] : vector<1x1x10000xf32> to vector<1xf32>
    %reduce_sum3A_419 = vector.shape_cast %reduce_sum3A_418 : vector<1xf32> to vector<1x1x1xf32>
    %reduce_sum3A_420 = vector.extract %reduce_sum3A_419[0, 0, 0] : f32 from vector<1x1x1xf32>
    %mul3A_421 = arith.mulf %broadcast_in_dim3A, %add3A_403 : vector<1x10000xf32>
    %reduce_sum3A_422 = vector.shape_cast %mul3A_421 : vector<1x10000xf32> to vector<1x1x10000xf32>
    %reduce_sum3A_423 = arith.constant dense<0.000000e+00> : vector<1xf32>
    %reduce_sum3A_424 = vector.multi_reduction <add>, %reduce_sum3A_422, %reduce_sum3A_423 [1, 2] : vector<1x1x10000xf32> to vector<1xf32>
    %reduce_sum3A_425 = vector.shape_cast %reduce_sum3A_424 : vector<1xf32> to vector<1x1x1xf32>
    %reduce_sum3A_426 = vector.extract %reduce_sum3A_425[0, 0, 0] : f32 from vector<1x1x1xf32>
    %mul3A_427 = arith.mulf %broadcast_in_dim3A, %add3A_414 : vector<1x10000xf32>
    %reduce_sum3A_428 = vector.shape_cast %mul3A_427 : vector<1x10000xf32> to vector<1x1x10000xf32>
    %reduce_sum3A_429 = arith.constant dense<0.000000e+00> : vector<1xf32>
    %reduce_sum3A_430 = vector.multi_reduction <add>, %reduce_sum3A_428, %reduce_sum3A_429 [1, 2] : vector<1x1x10000xf32> to vector<1xf32>
    %reduce_sum3A_431 = vector.shape_cast %reduce_sum3A_430 : vector<1xf32> to vector<1x1x1xf32>
    %reduce_sum3A_432 = vector.extract %reduce_sum3A_431[0, 0, 0] : f32 from vector<1x1x1xf32>
    %mul3A_433 = arith.constant 2.000000e+00 : f32
    %mul3A_434 = arith.mulf %mul3A_433, %reduce_sum3A_420 : f32
    %add3A_435 = arith.addf %reduce_sum3A_426, %reduce_sum3A_432 : f32
    %div3A_436 = arith.divf %mul3A_434, %add3A_435 : f32
    %eq3A_437 = arith.constant 4 : i32
    %eq3A_438 = vector.broadcast %eq3A_437 : i32 to vector<1x128xi32>
    %eq3A_439 = arith.cmpi eq, %iota3A_130, %eq3A_438 : vector<1x128xi32>
    %jit3A_440 = arith.constant 0.000000e+00 : f32
    %broadcast_in_dim3A_441 = vector.broadcast %div3A_436 : f32 to vector<1x128xf32>
    %broadcast_in_dim3A_442 = vector.broadcast %jit3A_440 : f32 to vector<1x128xf32>
    %select_n3A_443 = arith.select %eq3A_439, %broadcast_in_dim3A_441, %broadcast_in_dim3A_442 : vector<1x128xi1>, vector<1x128xf32>
    %add3A_444 = arith.addf %add3A_381, %select_n3A_443 : vector<1x128xf32>
    %swap3A = arith.constant 0 : index
    %swap3A_445 = arith.constant 0 : index
    %swap3A_446 = vector.load %arg1[%swap3A, %swap3A_445] : memref<1x128xf32, #tpu.memory_space<vmem>>, vector<1x128xf32>
    tpu.vector_store %arg1[%swap3A, %swap3A_445], %add3A_444 {strides = array<i32>} : memref<1x128xf32, #tpu.memory_space<vmem>>, vector<1x128xf32>,
    return
  }
}

</mosaic_0001>

<sc_bundles>
// kernel: kernel.5.cloned.1.call-start
scs
__scs_entry_jumppad:
0x0: {  	(pc) =	sbr.rel $0x88, $3  }
0x1: {  	(tag) =	ssettag $0x0;
	lr =	simm.s32 $0x1  }
0x2: {  	[smem:$0x3F9F] =	sst lr;
	_ =	strace $0xD0000000  }
0x3: {  	_ = 	snop  }
0x4: {  	_ = 	snop  }
0x5: {  	_ = 	snop  }
0x6: {  	_ = 	snop  }
0x7: {  	_ = 	snop  }
__scs_overlays_trampoline_lowered:
0x8: {  	[smem:$0x3FAE] =	sst s0  }
0x9: {  	[smem:$0x3FAF] =	sst s1  }
0xa: {  	[smem:$0x3FB0] =	sst s2  }
0xb: {  	[smem:$0x3FB1] =	sst s3  }
0xc: {  	[smem:$0x3FB2] =	sst s4  }
0xd: {  	[smem:$0x3FB3] =	sst s5  }
0xe: {  	[smem:$0x3FB4] =	sst s6  }
0xf: {  	[smem:$0x3FB5] =	sst s7  }
0x10: {  	[smem:$0x3FB6] =	sst s8  }
0x11: {  	[smem:$0x3FB7] =	sst s9;
	s0 =	simm.s32 @!p0 $0x0  }
0x12: {  	s1 =	sld [smem:$0x3F9D];
	s0 =	simm.s32 @p0 $0x1  }
0x13: {  	[smem:$0x3FB8] =	sst s0;
	s0 =	simm.s32 @!p1 $0x0  }
0x14: {  	s2 =	sld [smem:$0x3F9C];
	s0 =	simm.s32 @p1 $0x1  }
0x15: {  	[smem:$0x3FB9] =	sst s0;
	s0 =	simm.s32 @!p2 $0x0  }
0x16: {  	s3 =	sld [smem:$0x3FDB];
	s0 =	simm.s32 @p2 $0x1  }
0x17: {  	s4 =	simm.s32 $0x1BF5;
	[smem:$0x3FBB] =	sst s0  }
0x18: {  	s0 =	sld [smem:$0x3F9E];
	_ =	swait.ge [sflag:s4], $0x0  }
0x19: {  	s7 =	sld [smem:$0x3F9F]  }
0x1a: {  	s8 =	sadd.s32 $0xFFFFE003, lr  }
0x1b: {  	s9 =	sadd.s32 $0xFFFFFEF7, lr;
	s5 =	simm.s32 $0xFFFFFFFF;
	p2 =	slt.u32 s8, $0xFFFFF086  }
0x1c: {  	p1 =	slt.u32 s9, $0xF7A;
	s5 =	simm.s32 @!p2 $0x0  }
0x1d: {  	s5 =	simm.s32 @p1 $0x1;
	p0 =	seq.s32 s7, s2  }
0x1e: {  	s7 =	smul.u32 @!p0 $0xF7A, s2;
	p2 =	seq.s32 @!p0 s5, $0x0  }
0x1f: {  	s9 =	smul.u32 $0xF7A, s1;
	s8 =	simm.s32 @!p0 $0x1BF5;
	p2 =	por !p2, p0  }
0x20: {  	[sflag:s8] =	ssyncset.s32 @!p0 $0xFFFFF086;
	s6 =	sadd.s32 @!p0 s3, s7;
	s7 =	simm.s32 @!p0 $0x108  }
0x21: {  	s3 =	sadd.s32 s3, s9;
	s6 =	sadd.s32 @!p0 $0x88, s6;
	s7 =	simm.s32 @p2 $0x1082  }
0x22: {  	[simem:s7], [sflag:s8] =	dma.local @!p0 [hbm:s6], $0xF7A  }
0x23: {  	s9 =	sor.u32 $0xD0000000, s2;
	s6 =	simm.s32 $0x108;
	_ =	swait.ge @!p0 [sflag:s8], $0x0  }
0x24: {  	s3 =	sadd.s32 $0x88, s3;
	s6 =	simm.s32 @!p1 $0x1082;
	[sflag:s4] =	ssyncset.s32 $0xFFFFF086  }
0x25: {  	[simem:s6], [sflag:s4] =	dma.local [hbm:s3], $0xF7A  }
0x26: {  	[smem:$0x3F9F] =	sst s1;
	(tag) =	ssettag s2;
	_ =	strace s9  }
0x27: {  	s1 =	sld [smem:$0x3FAF]  }
0x28: {  	s2 =	sld [smem:$0x3FB0]  }
0x29: {  	s4 =	sld [smem:$0x3FB2]  }
0x2a: {  	p0 =	seq.s32 s5, $0x0;
	s5 =	sld [smem:$0x3FB3]  }
0x2b: {  	s6 =	sld [smem:$0x3FB4]  }
0x2c: {  	s7 =	sld [smem:$0x3FB5]  }
0x2d: {  	s3 =	simm.s32 $0x108;
	s8 =	sld [smem:$0x3FB6]  }
0x2e: {  	s3 =	simm.s32 @!p0 $0x1082;
	s9 =	sld [smem:$0x3FB7]  }
0x2f: {  	lr =	sadd.s32 s0, s3;
	s0 =	sld [smem:$0x3FAE]  }
0x30: {  	s3 =	sld [smem:$0x3FB1]  }
0x31: {  	[smem:$0x3FBA] =	sst s10  }
0x32: {  	s10 =	sld [smem:$0x3FB8];
	_ =	sdelay $0x3  }
0x33: {  	p0 =	seq.s32 s10, $0x1;
	s10 =	sld [smem:$0x3FBA];
	_ =	sdelay $0x3  }
0x34: {  	[smem:$0x3FBA] =	sst s10  }
0x35: {  	s10 =	sld [smem:$0x3FB9];
	_ =	sdelay $0x3  }
0x36: {  	p1 =	seq.s32 s10, $0x1;
	s10 =	sld [smem:$0x3FBA];
	_ =	sdelay $0x3  }
0x37: {  	[smem:$0x3FBA] =	sst s10  }
0x38: {  	s10 =	sld [smem:$0x3FBB]  }
0x39: {  	_ = 	snop;
	(pc) =	sbr.ind lr, $3  }
0x3a: {  	_ = 	snop  }
0x3b: {  	_ = 	snop  }
0x3c: {  	p2 =	seq.s32 s10, $0x1;
	s10 =	sld [smem:$0x3FBA]  }
0x3d: {  	_ =	shalt  }
0x3e: {  	_ =	shalt  }
0x3f: {  	_ =	shalt  }
0x40: {  	_ =	shalt  }
0x41: {  	_ =	shalt  }
0x42: {  	_ =	shalt  }
0x43: {  	_ =	shalt  }
0x44: {  	_ =	shalt  }
0x45: {  	_ =	shalt  }
0x46: {  	_ =	shalt  }
0x47: {  	_ =	shalt  }
0x48: {  	_ =	shalt  }
0x49: {  	_ =	shalt  }
0x4a: {  	_ =	shalt  }
0x4b: {  	_ =	shalt  }
0x4c: {  	_ =	shalt  }
0x4d: {  	_ =	shalt  }
0x4e: {  	_ =	shalt  }
0x4f: {  	_ =	shalt  }
0x50: {  	_ =	shalt  }
0x51: {  	_ =	shalt  }
0x52: {  	_ =	shalt  }
0x53: {  	_ =	shalt  }
0x54: {  	_ =	shalt  }
0x55: {  	_ =	shalt  }
0x56: {  	_ =	shalt  }
0x57: {  	_ =	shalt  }
0x58: {  	_ =	shalt  }
0x59: {  	_ =	shalt  }
0x5a: {  	_ =	shalt  }
0x5b: {  	_ =	shalt  }
0x5c: {  	_ =	shalt  }
0x5d: {  	_ =	shalt  }
0x5e: {  	_ =	shalt  }
0x5f: {  	_ =	shalt  }
0x60: {  	_ =	shalt  }
0x61: {  	_ =	shalt  }
0x62: {  	_ =	shalt  }
0x63: {  	_ =	shalt  }
0x64: {  	_ =	shalt  }
0x65: {  	_ =	shalt  }
0x66: {  	_ =	shalt  }
0x67: {  	_ =	shalt  }
0x68: {  	_ =	shalt  }
0x69: {  	_ =	shalt  }
0x6a: {  	_ =	shalt  }
0x6b: {  	_ =	shalt  }
0x6c: {  	_ =	shalt  }
0x6d: {  	_ =	shalt  }
0x6e: {  	_ =	shalt  }
0x6f: {  	_ =	shalt  }
0x70: {  	_ =	shalt  }
0x71: {  	_ =	shalt  }
0x72: {  	_ =	shalt  }
0x73: {  	_ =	shalt  }
0x74: {  	_ =	shalt  }
0x75: {  	_ =	shalt  }
0x76: {  	_ =	shalt  }
0x77: {  	_ =	shalt  }
0x78: {  	_ =	shalt  }
0x79: {  	_ =	shalt  }
0x7a: {  	_ =	shalt  }
0x7b: {  	_ =	shalt  }
0x7c: {  	_ =	shalt  }
0x7d: {  	_ =	shalt  }
0x7e: {  	_ =	shalt  }
0x7f: {  	_ =	shalt  }
0x80: {  	_ =	shalt  }
0x81: {  	_ =	shalt  }
0x82: {  	_ =	shalt  }
0x83: {  	_ =	shalt  }
0x84: {  	_ =	shalt  }
0x85: {  	_ =	shalt  }
0x86: {  	_ =	shalt  }
0x87: {  	_ =	shalt  }
.Lfunc_end0:
.L_simem_size_0:
called_computation_lowered:
.L_overlay_start_0:
0x88: {  	s2 =	sld [smem:$0x3FD9]  }
0x89: {  	s3 =	sld [smem:$0x3FFE];
	_ =	sdelay $0x1  }
0x8a: {  	s1 =	srdreg.scid  }
0x8b: {  	s0 =	sand.u32 $0x1, s1  }
0x8c: {  	s16 =	sshll.u32 s0, $0xA;
	s2 =	sadd.s32 s3, s2  }
0x8d: {  	s2 =	sadd.s32 s2, s16  }
0x8e: {  	[smem:$0x3FC6] =	sst s2  }
0x8f: {  	_ = 	snop  }
0x90: {  	(tm) =	ssettm $0x1  }
0x91: {  	s17 =	sld [smem:$0x3FFB];
	_ =	sdelay $0x3  }
0x92: {  	_ =	strace s17  }
0x93: {  	s2 =	sld [smem:$0x3FFC];
	_ =	sdelay $0x3  }
0x94: {  	_ =	strace s2  }
0x95: {  	s2 =	sld [smem:$0x3FFD];
	_ =	sdelay $0x3  }
0x96: {  	_ =	strace s2  }
0x97: {  	_ =	strace $0x8FFFFFFF  }
0x98: {  	s18 =	sld [smem:$0x3FDB];
	_ =	sdelay $0x1  }
0x99: {  	s19 =	simm.s32 $_scs_section_size  }
0x9a: {  	s4 =	simm.s32 $_size__tile_overlayer_lowered;
	s5 =	simm.s32 $_tile_overlayer_lowered  }
0x9b: {  	s22 =	simm.s32 $0x1BFF;
	s21 =	sshll.u32 s5, $0x1;
	s2 =	sadd.s32 s19, s18  }
0x9c: {  	s6 =	simm.s32 $0x0;
	s20 =	sshll.u32 s4, $0x1;
	s4 =	sadd.s32 s21, s2  }
0x9d: {  	[timem:s6], [sflag:s22] =	dma.local [hbm:s4], s20  }
0x9e: {  	_ =	swait.ge [sflag:s22], s20  }
0x9f: {  	s3 =	ssub.s32 $0x0, s20;
	[sflag:s22] =	ssyncset.done $0x0  }
0xa0: {  	[sflag:s22] =	ssyncadd.s32 s3;
	_ =	sdelay $0x1  }
0xa1: {  	s23 =	simm.s32 $0x1B8B  }
0xa2: {  	_ =	swait.ge [sflag:s23], $0x1  }
0xa3: {  	[sflag:s23] =	ssyncset.done $0x0  }
0xa4: {  	s25 =	simm.s32 $0x1B8E;
	s24 =	sld [smem:$0x3FFE];
	[sflag:s23] =	ssyncadd.s32 $0xFFFFFFFF  }
0xa5: {  	s26 =	simm.s32 $execute0_lowered;
	[smem:$0x3FD2] =	sst s25  }
0xa6: {  	s4 =	sshll.u32 s26, $0x1;
	_ =	strace $0x80000046;
	[dreg:$0x1] =	wrdreg $0xFFFFFFFF  }
0xa7: {  	s28 =	simm.s32 $_size_execute0_lowered;
	s2 =	sadd.s32 s2, s4;
	[dreg:$0x0] =	wrdreg $0x0  }
0xa8: {  	s4 =	sshll.u32 s28, $0x1;
	[dreg:$0x2] =	wrdreg s2  }
0xa9: {  	[dreg:$0x3] =	wrdreg s4  }
0xaa: {  	[dreg:$0x4] =	wrdreg $0xC0  }
0xab: {  	_ =	task [dreg:s6], $0x5FFFF  }
0xac: {  	[dreg:$0x1] =	wrdreg $0xFFFFFFFF  }
0xad: {  	[dreg:$0x0] =	wrdreg $0x60  }
0xae: {  	[dreg:$0x2] =	wrdreg s24  }
0xaf: {  	[dreg:$0x3] =	wrdreg $0x9  }
0xb0: {  	_ =	task.clear_ibuf [dreg:s6], $0x4FFFF;
	_ =	strace $0x90000046  }
0xb1: {  	s29 =	simm.s32 $0x9;
	_ =	strace $0x80000048  }
0xb2: {  	_ =	swait.ge [sflag:s29], $0x1  }
0xb3: {  	[sflag:s29] =	ssyncadd.s32 $0xFFFFFFFF  }
0xb4: {  	_ =	strace $0x90000048  }
0xb5: {  	_ =	sfence  }
0xb6: {  	s30 =	sld [smem:$0x0];
	_ =	sdelay $0x2  }
0xb7: {  	s31 =	sshll.u32 s1, $0xD;
	s1 =	sshrl.u32 s1, $0x2  }
0xb8: {  	s3 =	sand.u32 $0x4000, s31;
	s1 =	sadd.s32 s1, s30  }
0xb9: {  	s0 =	sor.u32 s3, s0;
	s1 =	sshll.u32 s1, $0x11  }
0xba: {  	s0 =	sor.u32 s1, s0  }
0xbb: {  	s0 =	sadd.s32 $0x8F2B, s0  }
0xbc: {  	[sflag:s0] =	ssyncadd.remote.s32 $0x1  }
0xbd: {  	_ =	sfence.sel $0xFFFF  }
0xbe: {  	[dreg:$0x0] =	wrdreg $0xFFFFFFFF;
	(pc) =	sbr.abs _section_cstart, $3  }
0xbf: {  	[dreg:$0x1] =	wrdreg $0xFFFFFFFF  }
0xc0: {  	_ =	task.clear_ibuf [dreg:s6], $0x2FFFF;
	_ =	strace $0x9FFFFFFF  }
0xc1: {  	(tm) =	ssettm $0x7FFFFFFF  }
tec
execute0_lowered:
.L_overlay_start_1:
0x0: {  	(tag) =	ssettag $0x1  }
0x1: {  	s1 =	srdreg.scid;
	s0 =	stileid.u32  }
0x2: {  	s4 =	rddreg [dreg:$0x0];
	s2 =	simm.s32 $0x0;
	s9 =	simm.s32 $0x4000  }
0x3: {  	s10 =	simm.s32 $0x1;
	s11 =	simm.s32 $0x8000;
	s12 =	simm.s32 $0xA780  }
0x4: {  	s13 =	simm.s32 $0x2;
	s5 =	sand.u32 $0x1, s1;
	s3 =	sshll.u32 s0, $0x1  }
0x5: {  	s14 =	simm.s32 $0x3;
	s15 =	simm.s32 $0x0;
	s6 =	sor.u32 s5, s3  }
0x6: {  	[smem:$0x7FF] =	sst s2;
	s5 =	ssub.s32 $0x2, s5;
	s7 =	smul.u32 $0x4E2, s6  }
0x7: {  	s1 =	rddreg [dreg:$0x1];
	_ =	strace $0x80000047;
	s8 =	sshrl.u32 s5, $0x1  }
0x8: {  	s3 =	sadd.s32 $0x600, s4;
	s8 =	ssub.s32 s5, s8;
	s7 =	sadd.s32 s7, s4  }
0x9: {  	s4 =	sshll.u32 s6, $0x10;
	s6 =	sshll.u32 s6, $0xD;
	s8 =	smax.u32 s8, $0x1  }
0xa: {  	v0 =	vimm.f32 $0.0e+00;
	v1 =	vlaneseq.u32;
	v2 =	vimm.f32 $1.000000000e+00;
	s5 =	sadd.s32 s3, s6;
	s6 =	sor.u32 $0x8000, s4;
	s7 =	sadd.s32 $0x40600, s7  }
.LBB2_1:
0xb: {  	s16 =	simm.s32 $0x40;
	s17 =	simm.s32 $0x0  }
.LBB2_2:
0xc: {  	p0 =	sne.s32 s16, $0x9C00;
	[tilespmem:s17+$0x8000] =	vst v0;
	s18 =	smov.u32 s16;
	s16 =	sadd.s32 $0x40, s16  }
.Ltmp0:
0xd: {  	[tilespmem:s17+$0xA780] =	vst v0;
	(pc) =	sbr.rel @p0 .LBB2_2-.Ltmp0, $2  }
0xe: {  	_ =	sdelay $0x2  }
0xf: {  	s17 =	sshra.s32 s18, $0x2  }
0x10: {  	[tilespmem:s17+$0x8000] =	vst v0;
	s16 =	simm.s32 $0x0  }
0x11: {  	[tilespmem:s17+$0xA780] =	vst v0;
	p2 =	por $0x1, $0x1;
	p1 =	por $0x0, $0x0;
	s17 =	simm.s32 $0x0  }
0x12: {  	[tilespmem:s16], [sflag:$0x1] =	stream.linear.gather [hbm4b:s5+s16], $0x4000, $0x38;
	[tilespmem:$0xCF00] =	vst v63  }
.LBB2_4:
0x13: {  	s18 =	sor.u32 s17, s4  }
0x14: {  	s18 =	sshrl.u32 s18, $0x3  }
0x15: {  	s18 =	sadd.s32 s18, s3  }
0x16: {  	s18 =	sadd.s32 $0x800, s18  }
0x17: {  	[tilespmem:s9], [sflag:$0x2] =	stream.linear.gather [hbm4b:s18+s16], $0x4000, $0x38;
	[tilespmem:$0xCF00] =	vst v63  }
0x18: {  	_ =	swait.ge [sflag:s10], $0x4000  }
0x19: {  	[sflag:s10] =	ssyncset.done $0x0  }
0x1a: {  	p0 =	por p2, p2;
	s18 =	simm.s32 $0x0;
	[sflag:s10] =	ssyncadd.s32 $0xFFFFC000  }
.LBB2_5:
0x1b: {  	s19 =	sshra.s32 s18, $0x2  }
0x1c: {  	v3 =	vld [tilespmem:s19+$0x0];
	_ =	sdelay $0x4  }
0x1d: {  	v3 =	vadd.s32 v1, v3;
	_ =	sdelay $0x4  }
0x1e: {  	[tilespmem:v3+s11+$0x0] =	vst.idx.add.f32.msk $0xffff, v2  }
0x1f: {  	v3 =	vld [tilespmem:s19+$0x10];
	_ =	sdelay $0x4  }
0x20: {  	v3 =	vadd.s32 v1, v3;
	_ =	sdelay $0x4  }
0x21: {  	[tilespmem:v3+s12+$0x0] =	vst.idx.add.f32.msk $0xffff, v2  }
0x22: {  	v3 =	vld [tilespmem:s19+$0x20];
	_ =	sdelay $0x4  }
0x23: {  	v3 =	vadd.s32 v1, v3;
	_ =	sdelay $0x4  }
0x24: {  	[tilespmem:v3+s11+$0x0] =	vst.idx.add.f32.msk $0xffff, v2  }
0x25: {  	v3 =	vld [tilespmem:s19+$0x30];
	_ =	sdelay $0x4  }
0x26: {  	v3 =	vadd.s32 v1, v3;
	_ =	sdelay $0x4  }
0x27: {  	[tilespmem:v3+s12+$0x0] =	vst.idx.add.f32.msk $0xffff, v2  }
0x28: {  	v3 =	vld [tilespmem:s19+$0x40];
	_ =	sdelay $0x4  }
0x29: {  	v3 =	vadd.s32 v1, v3;
	_ =	sdelay $0x4  }
0x2a: {  	[tilespmem:v3+s11+$0x0] =	vst.idx.add.f32.msk $0xffff, v2  }
0x2b: {  	v3 =	vld [tilespmem:s19+$0x50];
	_ =	sdelay $0x4  }
0x2c: {  	v3 =	vadd.s32 v1, v3;
	_ =	sdelay $0x4  }
0x2d: {  	[tilespmem:v3+s12+$0x0] =	vst.idx.add.f32.msk $0xffff, v2  }
0x2e: {  	v3 =	vld [tilespmem:s19+$0x60];
	_ =	sdelay $0x4  }
0x2f: {  	v3 =	vadd.s32 v1, v3;
	_ =	sdelay $0x4  }
0x30: {  	[tilespmem:v3+s11+$0x0] =	vst.idx.add.f32.msk $0xffff, v2  }
0x31: {  	v3 =	vld [tilespmem:s19+$0x70];
	_ =	sdelay $0x4  }
0x32: {  	v3 =	vadd.s32 v1, v3;
	_ =	sdelay $0x4  }
0x33: {  	[tilespmem:v3+s12+$0x0] =	vst.idx.add.f32.msk $0xffff, v2  }
0x34: {  	v3 =	vld [tilespmem:s19+$0x80];
	_ =	sdelay $0x4  }
0x35: {  	v3 =	vadd.s32 v1, v3;
	_ =	sdelay $0x4  }
0x36: {  	[tilespmem:v3+s11+$0x0] =	vst.idx.add.f32.msk $0xffff, v2  }
0x37: {  	v3 =	vld [tilespmem:s19+$0x90];
	_ =	sdelay $0x4  }
0x38: {  	v3 =	vadd.s32 v1, v3;
	_ =	sdelay $0x4  }
0x39: {  	[tilespmem:v3+s12+$0x0] =	vst.idx.add.f32.msk $0xffff, v2  }
0x3a: {  	v3 =	vld [tilespmem:s19+$0xA0];
	_ =	sdelay $0x4  }
0x3b: {  	v3 =	vadd.s32 v1, v3;
	_ =	sdelay $0x4  }
0x3c: {  	[tilespmem:v3+s11+$0x0] =	vst.idx.add.f32.msk $0xffff, v2  }
0x3d: {  	v3 =	vld [tilespmem:s19+$0xB0];
	_ =	sdelay $0x4  }
0x3e: {  	v3 =	vadd.s32 v1, v3;
	_ =	sdelay $0x4  }
0x3f: {  	[tilespmem:v3+s12+$0x0] =	vst.idx.add.f32.msk $0xffff, v2  }
0x40: {  	v3 =	vld [tilespmem:s19+$0xC0];
	_ =	sdelay $0x4  }
0x41: {  	v3 =	vadd.s32 v1, v3;
	_ =	sdelay $0x4  }
0x42: {  	[tilespmem:v3+s11+$0x0] =	vst.idx.add.f32.msk $0xffff, v2  }
0x43: {  	v3 =	vld [tilespmem:s19+$0xD0];
	_ =	sdelay $0x4  }
0x44: {  	v3 =	vadd.s32 v1, v3;
	_ =	sdelay $0x4  }
0x45: {  	[tilespmem:v3+s12+$0x0] =	vst.idx.add.f32.msk $0xffff, v2  }
0x46: {  	v3 =	vld [tilespmem:s19+$0xE0];
	_ =	sdelay $0x4  }
0x47: {  	v3 =	vadd.s32 v1, v3;
	_ =	sdelay $0x4  }
0x48: {  	[tilespmem:v3+s11+$0x0] =	vst.idx.add.f32.msk $0xffff, v2  }
0x49: {  	v3 =	vld [tilespmem:s19+$0xF0];
	_ =	sdelay $0x4  }
0x4a: {  	p2 =	sne.s32 s18, $0xFC00;
	v3 =	vadd.s32 v1, v3  }
.Ltmp1:
0x4b: {  	_ = 	snop;
	(pc) =	sbr.rel @p2 .LBB2_5-.Ltmp1, $2  }
0x4c: {  	_ =	sdelay $0x2  }
0x4d: {  	s18 =	sadd.s32 $0x400, s18;
	[tilespmem:v3+s12+$0x0] =	vst.idx.add.f32.msk $0xffff, v2  }
0x4e: {  	s17 =	sadd.s32 @!p1 s17, s6  }
0x4f: {  	s17 =	sshrl.u32 @!p1 s17, $0x3  }
0x50: {  	s18 =	simm.s32 @!p1 $0x0;
	s17 =	sadd.s32 @!p1 s3, s17  }
0x51: {  	[tilespmem:s18], [sflag:$0x1] =	stream.linear.gather @!p1 [hbm4b:s17+s18], $0x4000, $0x38;
	[tilespmem:$0xCF00] =	vst v63  }
0x52: {  	_ =	swait.ge [sflag:s13], $0x4000  }
0x53: {  	[sflag:s13] =	ssyncset.done $0x0  }
0x54: {  	s17 =	simm.s32 $0x0;
	[sflag:s13] =	ssyncadd.s32 $0xFFFFC000  }
.LBB2_7:
0x55: {  	s18 =	sshra.s32 s17, $0x2  }
0x56: {  	v3 =	vld [tilespmem:s18+$0x4000];
	_ =	sdelay $0x4  }
0x57: {  	v3 =	vadd.s32 v1, v3;
	_ =	sdelay $0x4  }
0x58: {  	[tilespmem:v3+s11+$0x0] =	vst.idx.add.f32.msk $0xffff, v2  }
0x59: {  	v3 =	vld [tilespmem:s18+$0x4010];
	_ =	sdelay $0x4  }
0x5a: {  	v3 =	vadd.s32 v1, v3;
	_ =	sdelay $0x4  }
0x5b: {  	[tilespmem:v3+s12+$0x0] =	vst.idx.add.f32.msk $0xffff, v2  }
0x5c: {  	v3 =	vld [tilespmem:s18+$0x4020];
	_ =	sdelay $0x4  }
0x5d: {  	v3 =	vadd.s32 v1, v3;
	_ =	sdelay $0x4  }
0x5e: {  	[tilespmem:v3+s11+$0x0] =	vst.idx.add.f32.msk $0xffff, v2  }
0x5f: {  	v3 =	vld [tilespmem:s18+$0x4030];
	_ =	sdelay $0x4  }
0x60: {  	v3 =	vadd.s32 v1, v3;
	_ =	sdelay $0x4  }
0x61: {  	[tilespmem:v3+s12+$0x0] =	vst.idx.add.f32.msk $0xffff, v2  }
0x62: {  	v3 =	vld [tilespmem:s18+$0x4040];
	_ =	sdelay $0x4  }
0x63: {  	v3 =	vadd.s32 v1, v3;
	_ =	sdelay $0x4  }
0x64: {  	[tilespmem:v3+s11+$0x0] =	vst.idx.add.f32.msk $0xffff, v2  }
0x65: {  	v3 =	vld [tilespmem:s18+$0x4050];
	_ =	sdelay $0x4  }
0x66: {  	v3 =	vadd.s32 v1, v3;
	_ =	sdelay $0x4  }
0x67: {  	[tilespmem:v3+s12+$0x0] =	vst.idx.add.f32.msk $0xffff, v2  }
0x68: {  	v3 =	vld [tilespmem:s18+$0x4060];
	_ =	sdelay $0x4  }
0x69: {  	v3 =	vadd.s32 v1, v3;
	_ =	sdelay $0x4  }
0x6a: {  	[tilespmem:v3+s11+$0x0] =	vst.idx.add.f32.msk $0xffff, v2  }
0x6b: {  	v3 =	vld [tilespmem:s18+$0x4070];
	_ =	sdelay $0x4  }
0x6c: {  	v3 =	vadd.s32 v1, v3;
	_ =	sdelay $0x4  }
0x6d: {  	[tilespmem:v3+s12+$0x0] =	vst.idx.add.f32.msk $0xffff, v2  }
0x6e: {  	v3 =	vld [tilespmem:s18+$0x4080];
	_ =	sdelay $0x4  }
0x6f: {  	v3 =	vadd.s32 v1, v3;
	_ =	sdelay $0x4  }
0x70: {  	[tilespmem:v3+s11+$0x0] =	vst.idx.add.f32.msk $0xffff, v2  }
0x71: {  	v3 =	vld [tilespmem:s18+$0x4090];
	_ =	sdelay $0x4  }
0x72: {  	v3 =	vadd.s32 v1, v3;
	_ =	sdelay $0x4  }
0x73: {  	[tilespmem:v3+s12+$0x0] =	vst.idx.add.f32.msk $0xffff, v2  }
0x74: {  	v3 =	vld [tilespmem:s18+$0x40A0];
	_ =	sdelay $0x4  }
0x75: {  	v3 =	vadd.s32 v1, v3;
	_ =	sdelay $0x4  }
0x76: {  	[tilespmem:v3+s11+$0x0] =	vst.idx.add.f32.msk $0xffff, v2  }
0x77: {  	v3 =	vld [tilespmem:s18+$0x40B0];
	_ =	sdelay $0x4  }
0x78: {  	v3 =	vadd.s32 v1, v3;
	_ =	sdelay $0x4  }
0x79: {  	[tilespmem:v3+s12+$0x0] =	vst.idx.add.f32.msk $0xffff, v2  }
0x7a: {  	v3 =	vld [tilespmem:s18+$0x40C0];
	_ =	sdelay $0x4  }
0x7b: {  	v3 =	vadd.s32 v1, v3;
	_ =	sdelay $0x4  }
0x7c: {  	[tilespmem:v3+s11+$0x0] =	vst.idx.add.f32.msk $0xffff, v2  }
0x7d: {  	v3 =	vld [tilespmem:s18+$0x40D0];
	_ =	sdelay $0x4  }
0x7e: {  	v3 =	vadd.s32 v1, v3;
	_ =	sdelay $0x4  }
0x7f: {  	[tilespmem:v3+s12+$0x0] =	vst.idx.add.f32.msk $0xffff, v2  }
0x80: {  	v3 =	vld [tilespmem:s18+$0x40E0];
	_ =	sdelay $0x4  }
0x81: {  	v3 =	vadd.s32 v1, v3;
	_ =	sdelay $0x4  }
0x82: {  	[tilespmem:v3+s11+$0x0] =	vst.idx.add.f32.msk $0xffff, v2  }
0x83: {  	v3 =	vld [tilespmem:s18+$0x40F0];
	_ =	sdelay $0x4  }
0x84: {  	p1 =	sne.s32 s17, $0xFC00;
	v3 =	vadd.s32 v1, v3  }
.Ltmp2:
0x85: {  	_ = 	snop;
	(pc) =	sbr.rel @p1 .LBB2_7-.Ltmp2, $2  }
0x86: {  	_ =	sdelay $0x2  }
0x87: {  	s17 =	sadd.s32 $0x400, s17;
	[tilespmem:v3+s12+$0x0] =	vst.idx.add.f32.msk $0xffff, v2  }
.Ltmp3:
0x88: {  	(pc) =	sbr.rel @p0 .LBB2_4-.Ltmp3, $2  }
0x89: {  	_ =	sdelay $0x2  }
0x8a: {  	s17 =	simm.s32 $0x8000;
	p2 =	por $0x0, $0x0;
	p1 =	por $0x1, $0x1  }
0x8b: {  	s16 =	simm.s32 $0x0  }
0x8c: {  	s17 =	simm.s32 $0x40;
	v3 =	vld [tilespmem:s16+$0xA780]  }
.LBB2_10:
0x8d: {  	p0 =	sne.s32 s17, $0x9C00;
	v4 =	vld [tilespmem:s16+$0x8000];
	_ =	sdelay $0x2  }
.Ltmp4:
0x8e: {  	(pc) =	sbr.rel @p0 .LBB2_10-.Ltmp4, $4  }
0x8f: {  	_ = 	snop  }
0x90: {  	v4 =	vadd.f32 v3, v4  }
0x91: {  	s18 =	sshra.s32 s17, $0x2  }
0x92: {  	s17 =	sadd.s32 $0x40, s17;
	v3 =	vld [tilespmem:s18+$0xA780];
	[tilespmem:s16+$0x8000] =	vst v4;
	s16 =	smov.u32 s18  }
0x93: {  	v4 =	vld [tilespmem:s16+$0x8000];
	_ =	sdelay $0x4  }
0x94: {  	s15 =	sadd.s32 $0x1, s15;
	v3 =	vadd.f32 v3, v4  }
0x95: {  	p0 =	sne.s32 s15, s8  }
.Ltmp5:
0x96: {  	[tilespmem:s16+$0x8000] =	vst v3;
	(pc) =	sbr.rel @p0 .LBB2_1-.Ltmp5, $4  }
0x97: {  	[hbm4b:s7+s2] =	stream.linear.scatter [tilespmem:s11], [sflag:$0x3], $0x2710, $0x38;
	[tilespmem:$0xCF00] =	vst v63  }
0x98: {  	_ =	swait.ge [sflag:s14], $0x2710  }
0x99: {  	[sflag:s14] =	ssyncset.done $0x0  }
0x9a: {  	[sflag:s14] =	ssyncadd.s32 $0xFFFFD8F0  }
0x9b: {  	_ =	sfence.sel $0x180000  }
0x9c: {  	[bflag:$0x0] =	sbarrier.arrive $0xFFFF  }
0x9d: {  	p0 =	sne.s32 s0, $0x0;
	_ =	strace $0x90000047  }
0x9e: {  	s0 =	sadd.s32 @!p0 $0x100000, s1;
	[bflag:$0x2] =	sbarrier.arrive $0xFFFF  }
0x9f: {  	[sflag:s0] =	ssyncadd.tile.s32 @!p0 $0x1;
	_ =	shalt  }
.Lfunc_end2:
_tile_overlayer_lowered:
.L_overlay_start_2:
0xa0: {  	(tag) =	ssettag $0x2  }
0xa1: {  	s0 =	rddreg [dreg:$0x0];
	s2 =	stileid.u32  }
0xa2: {  	s1 =	rddreg [dreg:$0x1];
	p0 =	sne.s32 s2, $0x0  }
0xa3: {  	s3 =	rddreg [dreg:$0x2];
	[bflag:$0x3] =	sbarrier.arrive $0xFFFF;
	s2 =	simm.s32 @!p0 $0x1C03  }
0xa4: {  	[timem:s3], [sflag:s2] =	dma.local @!p0 [hbm:s0], s1  }
0xa5: {  	s0 =	simm.s32 @!p0 $0x3  }
0xa6: {  	_ =	swait.ge @!p0 [sflag:s0], s1  }
0xa7: {  	s1 =	ssub.s32 @!p0 $0x0, s1;
	[sflag:s0] =	ssyncset.done @!p0 $0x0  }
0xa8: {  	[sflag:s0] =	ssyncadd.s32 @!p0 s1  }
0xa9: {  	[bflag:$0x3] =	sbarrier.arrive $0xFFFF  }
0xaa: {  	_ =	shalt  }

</sc_bundles>
